<compile_context>
chip_gen: v7x
topology: tpu7x:2x2x1
jax: 0.10.2.dev20260603
libtpu: 0.0.44.dev20260713+nightly
codegen_flags: <defaults>
</compile_context>

<pallas_src>
import functools

import jax
import jax.numpy as jnp
from jax import lax
from jax.experimental import pallas as pl
from jax.experimental.pallas import tpu as pltpu
from jax.experimental.pallas import tpu_sc as plsc

B = 1048576
D = 7
ROWS = 95
ROWS_PAD = 96
NC, NS, L = 2, 16, 16
NW = NC * NS
B_PER_W = B // NW
CHUNK = 4096
N_CHUNKS = B_PER_W // CHUNK
VECS = CHUNK // L


def _sc_gather(table_cols, idx):
    mesh = plsc.VectorSubcoreMesh(
        core_axis_name="c", subcore_axis_name="s", num_cores=NC, num_subcores=NS
    )

    @functools.partial(
        pl.kernel,
        out_type=jax.ShapeDtypeStruct((D, B), jnp.float32),
        mesh=mesh,
        scratch_types=[
            [pltpu.VMEM((ROWS_PAD,), jnp.float32) for _ in range(D)],
            pltpu.VMEM((B_PER_W,), jnp.int32),
            [pltpu.VMEM((D, CHUNK), jnp.float32) for _ in range(2)],
            [pltpu.SemaphoreType.DMA for _ in range(3)],
        ],
        compiler_params=pltpu.CompilerParams(
            needs_layout_passes=False, use_tc_tiling_on_sc=True
        ),
    )
    def k(tab_hbm, idx_hbm, out_hbm, cols_v, idx_v, out_vs, sems):
        wid = lax.axis_index("s") * NC + lax.axis_index("c")
        base = wid * B_PER_W

        prologue = [
            pltpu.async_copy(
                tab_hbm.at[pl.ds(c * ROWS_PAD, ROWS_PAD)], cols_v[c], sems[2]
            )
            for c in range(D)
        ]
        prologue.append(
            pltpu.async_copy(idx_hbm.at[pl.ds(base, B_PER_W)], idx_v, sems[2])
        )
        for p in prologue:
            p.wait()

        descs = [None, None]
        for s in range(N_CHUNKS):
            b = s % 2
            if descs[b] is not None:
                descs[b].wait()

            @plsc.parallel_loop(0, VECS, unroll=1)
            def vec_body(i, _s=s, _b=b):
                z = idx_v[pl.ds(_s * CHUNK + i * L, L)]
                for c in range(D):
                    out_vs[_b][c, pl.ds(i * L, L)] = plsc.load_gather(
                        cols_v[c], [z]
                    )

            descs[b] = pltpu.async_copy(
                out_vs[b], out_hbm.at[:, pl.ds(base + s * CHUNK, CHUNK)], sems[b]
            )
        for d in descs:
            d.wait()

    return k(table_cols, idx)


def kernel(atomic_numbers, table):
    idx = atomic_numbers.astype(jnp.int32)
    cols = (
        jnp.zeros((D, ROWS_PAD), jnp.float32).at[:, :ROWS].set(table.T).reshape(-1)
    )
    return _sc_gather(cols, idx).T

# --- scband reference (transcript-rebuilt; emitter-appended) ---
"""Pipeline reference for scband-element-encoder-7052336300120 (READ-ONLY COPY).

The authoritative reference and input builder live on the scoring server;
editing this copy changes nothing except your own understanding.
"""

import jax, jax.numpy as jnp
import numpy as np

electron_distribution_dict = {1: [0, 0, 0, 0, 0, 0, 1], 2: [0, 0, 0, 0, 0, 0, 2], 3: [0, 0, 0, 0, 0, 2, 1], 4: [0, 0, 0, 0, 0, 2, 2], 5: [0, 0, 0, 0, 0, 2, 3], 6: [0, 0, 0, 0, 0, 2, 4], 7: [0, 0, 0, 0, 0, 2, 5], 8: [0, 0, 0, 0, 0, 2, 6], 9: [0, 0, 0, 0, 0, 2, 7], 10: [0, 0, 0, 0, 0, 2, 8], 11: [0, 0, 0, 0, 2, 8, 1], 12: [0, 0, 0, 0, 2, 8, 2], 13: [0, 0, 0, 0, 2, 8, 3], 14: [0, 0, 0, 0, 2, 8, 4], 15: [0, 0, 0, 0, 2, 8, 5], 16: [0, 0, 0, 0, 2, 8, 6], 17: [0, 0, 0, 0, 2, 8, 7], 18: [0, 0, 0, 0, 2, 8, 8], 19: [0, 0, 0, 2, 8, 8, 1], 20: [0, 0, 0, 2, 8, 8, 2], 21: [0, 0, 0, 2, 8, 9, 2], 22: [0, 0, 0, 2, 8, 10, 2], 23: [0, 0, 0, 2, 8, 11, 2], 24: [0, 0, 0, 2, 8, 13, 1], 25: [0, 0, 0, 2, 8, 13, 2], 26: [0, 0, 0, 2, 8, 14, 2], 27: [0, 0, 0, 2, 8, 15, 2], 28: [0, 0, 0, 2, 8, 16, 2], 29: [0, 0, 0, 2, 8, 18, 1], 30: [0, 0, 0, 2, 8, 18, 2], 31: [0, 0, 0, 2, 8, 18, 3], 32: [0, 0, 0, 2, 8, 18, 4], 33: [0, 0, 0, 2, 8, 18, 5], 34: [0, 0, 0, 2, 8, 18, 6], 35: [0, 0, 0, 2, 8, 18, 7], 36: [0, 0, 0, 2, 8, 18, 8], 37: [0, 0, 2, 8, 18, 8, 1], 38: [0, 0, 2, 8, 18, 8, 2], 39: [0, 0, 2, 8, 18, 9, 2], 40: [0, 0, 2, 8, 18, 10, 2], 41: [0, 0, 2, 8, 18, 12, 1], 42: [0, 0, 2, 8, 18, 13, 1], 43: [0, 0, 2, 8, 18, 13, 2], 44: [0, 0, 2, 8, 18, 15, 1], 45: [0, 0, 2, 8, 18, 16, 1], 46: [0, 0, 2, 8, 18, 18, 0], 47: [0, 0, 2, 8, 18, 18, 1], 48: [0, 0, 2, 8, 18, 18, 2], 49: [0, 0, 2, 8, 18, 18, 3], 50: [0, 0, 2, 8, 18, 18, 4], 51: [0, 0, 2, 8, 18, 18, 5], 52: [0, 0, 2, 8, 18, 18, 6], 53: [0, 0, 2, 8, 18, 18, 7], 54: [0, 0, 2, 8, 18, 18, 8], 55: [0, 2, 8, 18, 18, 8, 1], 56: [0, 2, 8, 18, 18, 8, 2], 57: [0, 2, 8, 18, 18, 9, 2], 58: [0, 2, 8, 18, 19, 9, 2], 59: [0, 2, 8, 18, 21, 8, 2], 60: [0, 2, 8, 18, 22, 8, 2], 61: [0, 2, 8, 18, 23, 8, 2], 62: [0, 2, 8, 18, 24, 8, 2], 63: [0, 2, 8, 18, 25, 8, 2], 64: [0, 2, 8, 18, 25, 9, 2], 65: [0, 2, 8, 18, 27, 8, 2], 66: [0, 2, 8, 18, 28, 8, 2], 67: [0, 2, 8, 18, 29, 8, 2], 68: [0, 2, 8, 18, 30, 8, 2], 69: [0, 2, 8, 18, 31, 8, 2], 70: [0, 2, 8, 18, 32, 8, 2], 71: [0, 2, 8, 18, 32, 9, 2], 72: [0, 2, 8, 18, 32, 10, 2], 73: [0, 2, 8, 18, 32, 11, 2], 74: [0, 2, 8, 18, 32, 12, 2], 75: [0, 2, 8, 18, 32, 13, 2], 76: [0, 2, 8, 18, 32, 14, 2], 77: [0, 2, 8, 18, 32, 15, 2], 78: [0, 2, 8, 18, 32, 17, 1], 79: [0, 2, 8, 18, 32, 18, 1], 80: [0, 2, 8, 18, 32, 18, 2], 81: [0, 2, 8, 18, 32, 18, 3], 82: [0, 2, 8, 18, 32, 18, 4], 83: [0, 2, 8, 18, 32, 18, 5], 84: [0, 2, 8, 18, 32, 18, 6], 85: [0, 2, 8, 18, 32, 18, 7], 86: [0, 2, 8, 18, 32, 18, 8], 87: [2, 8, 18, 32, 18, 8, 1], 88: [2, 8, 18, 32, 18, 8, 2], 89: [2, 8, 18, 32, 18, 9, 2], 90: [2, 8, 18, 32, 18, 10, 2], 91: [2, 8, 18, 32, 20, 9, 2], 92: [2, 8, 18, 32, 21, 9, 2], 93: [2, 8, 18, 32, 22, 9, 2], 94: [2, 8, 18, 32, 24, 8, 2]}


def _build_table():
    # rows 1..94 hold scaled electron configs; row 0 unused (zeros)
    arr = np.array([electron_distribution_dict[z] for z in range(1, 95)], dtype=np.float32)
    max_e = np.maximum(arr.max(axis=0), 1.0)
    table = np.zeros((95, 7), dtype=np.float32)
    table[1:] = arr / max_e
    return table


def setup_inputs(seed: int = 0) -> dict:
    key = jax.random.key(seed)
    # atomic numbers must be valid keys of the element dict: [1, 94]
    atomic_numbers = jax.random.randint(key, (1048576,), 1, 95)
    table = jnp.asarray(_build_table())
    return {"atomic_numbers": atomic_numbers, "table": table}


def reference(atomic_numbers, table):
    # Faithful translation: per-element dict lookup == row gather from the
    # precomputed scaled electron-distribution table.
    return jnp.take(table, atomic_numbers, axis=0)

if __name__ == "__main__":
    import jax
    _d = setup_inputs()
    print(jax.jit(kernel)(*tuple(_d.values())))

</pallas_src>

<mosaic_0001>
#map = affine_map<(d0, d1) -> (0)>
#map1 = affine_map<(d0, d1) -> (0, 0)>
module attributes {stable_mosaic.version = 14 : i64} {
  func.func @k(%arg0: i32, %arg1: i32, %arg2: memref<672xf32, #tpu.memory_space<hbm>>, %arg3: memref<1048576xi32, #tpu.memory_space<hbm>>, %arg4: memref<7x1048576xf32, #tpu.memory_space<hbm>>, %arg5: memref<96xf32, #tpu.memory_space<vmem>>, %arg6: memref<96xf32, #tpu.memory_space<vmem>>, %arg7: memref<96xf32, #tpu.memory_space<vmem>>, %arg8: memref<96xf32, #tpu.memory_space<vmem>>, %arg9: memref<96xf32, #tpu.memory_space<vmem>>, %arg10: memref<96xf32, #tpu.memory_space<vmem>>, %arg11: memref<96xf32, #tpu.memory_space<vmem>>, %arg12: memref<32768xi32, #tpu.memory_space<vmem>>, %arg13: memref<7x4096xf32, #tpu.memory_space<vmem>>, %arg14: memref<7x4096xf32, #tpu.memory_space<vmem>>, %arg15: memref<!tpu.dma_semaphore, #tpu.memory_space<semaphore_mem>>, %arg16: memref<!tpu.dma_semaphore, #tpu.memory_space<semaphore_mem>>, %arg17: memref<!tpu.dma_semaphore, #tpu.memory_space<semaphore_mem>>) attributes {dimension_semantics = [#tpu.dimension_semantics<core_parallel>, #tpu.dimension_semantics<subcore_parallel>], iteration_bounds = array<i64: 2, 16>, scalar_prefetch = 0 : i64, scratch_operands = 13 : i64, tpu.core_type = #tpu.core_type<sc_vector_subcore>, window_params = [{transform_indices = #map}, {transform_indices = #map}, {transform_indices = #map1}]} {
    %mul3A = arith.constant 2 : i32
    %mul3A_0 = arith.muli %arg1, %mul3A : i32
    %add3A = arith.addi %mul3A_0, %arg0 : i32
    %mul3A_1 = arith.constant 32768 : i32
    %mul3A_2 = arith.muli %add3A, %mul3A_1 : i32
    %dma_start3A = arith.constant 0 : i32
    %dma_start3A_3 = tpu.memref_slice %arg2[%dma_start3A] : memref<672xf32, #tpu.memory_space<hbm>> -> memref<96xf32, #tpu.memory_space<hbm>>
    %dma_start3A_4 = arith.constant 0 : i32
    %dma_start3A_5 = tpu.memref_slice %arg2[%dma_start3A_4] : memref<672xf32, #tpu.memory_space<hbm>> -> memref<96xf32, #tpu.memory_space<hbm>>
    tpu.enqueue_dma source(%dma_start3A_5 : memref<96xf32, #tpu.memory_space<hbm>>) target(%arg5 : memref<96xf32, #tpu.memory_space<vmem>>) target_semaphore(%arg17 : memref<!tpu.dma_semaphore, #tpu.memory_space<semaphore_mem>>)
    %dma_start3A_6 = arith.constant 96 : i32
    %dma_start3A_7 = tpu.memref_slice %arg2[%dma_start3A_6] : memref<672xf32, #tpu.memory_space<hbm>> -> memref<96xf32, #tpu.memory_space<hbm>>
    %dma_start3A_8 = arith.constant 96 : i32
    %dma_start3A_9 = tpu.memref_slice %arg2[%dma_start3A_8] : memref<672xf32, #tpu.memory_space<hbm>> -> memref<96xf32, #tpu.memory_space<hbm>>
    tpu.enqueue_dma source(%dma_start3A_9 : memref<96xf32, #tpu.memory_space<hbm>>) target(%arg6 : memref<96xf32, #tpu.memory_space<vmem>>) target_semaphore(%arg17 : memref<!tpu.dma_semaphore, #tpu.memory_space<semaphore_mem>>)
    %dma_start3A_10 = arith.constant 192 : i32
    %dma_start3A_11 = tpu.memref_slice %arg2[%dma_start3A_10] : memref<672xf32, #tpu.memory_space<hbm>> -> memref<96xf32, #tpu.memory_space<hbm>>
    %dma_start3A_12 = arith.constant 192 : i32
    %dma_start3A_13 = tpu.memref_slice %arg2[%dma_start3A_12] : memref<672xf32, #tpu.memory_space<hbm>> -> memref<96xf32, #tpu.memory_space<hbm>>
    tpu.enqueue_dma source(%dma_start3A_13 : memref<96xf32, #tpu.memory_space<hbm>>) target(%arg7 : memref<96xf32, #tpu.memory_space<vmem>>) target_semaphore(%arg17 : memref<!tpu.dma_semaphore, #tpu.memory_space<semaphore_mem>>)
    %dma_start3A_14 = arith.constant 288 : i32
    %dma_start3A_15 = tpu.memref_slice %arg2[%dma_start3A_14] : memref<672xf32, #tpu.memory_space<hbm>> -> memref<96xf32, #tpu.memory_space<hbm>>
    %dma_start3A_16 = arith.constant 288 : i32
    %dma_start3A_17 = tpu.memref_slice %arg2[%dma_start3A_16] : memref<672xf32, #tpu.memory_space<hbm>> -> memref<96xf32, #tpu.memory_space<hbm>>
    tpu.enqueue_dma source(%dma_start3A_17 : memref<96xf32, #tpu.memory_space<hbm>>) target(%arg8 : memref<96xf32, #tpu.memory_space<vmem>>) target_semaphore(%arg17 : memref<!tpu.dma_semaphore, #tpu.memory_space<semaphore_mem>>)
    %dma_start3A_18 = arith.constant 384 : i32
    %dma_start3A_19 = tpu.memref_slice %arg2[%dma_start3A_18] : memref<672xf32, #tpu.memory_space<hbm>> -> memref<96xf32, #tpu.memory_space<hbm>>
    %dma_start3A_20 = arith.constant 384 : i32
    %dma_start3A_21 = tpu.memref_slice %arg2[%dma_start3A_20] : memref<672xf32, #tpu.memory_space<hbm>> -> memref<96xf32, #tpu.memory_space<hbm>>
    tpu.enqueue_dma source(%dma_start3A_21 : memref<96xf32, #tpu.memory_space<hbm>>) target(%arg9 : memref<96xf32, #tpu.memory_space<vmem>>) target_semaphore(%arg17 : memref<!tpu.dma_semaphore, #tpu.memory_space<semaphore_mem>>)
    %dma_start3A_22 = arith.constant 480 : i32
    %dma_start3A_23 = tpu.memref_slice %arg2[%dma_start3A_22] : memref<672xf32, #tpu.memory_space<hbm>> -> memref<96xf32, #tpu.memory_space<hbm>>
    %dma_start3A_24 = arith.constant 480 : i32
    %dma_start3A_25 = tpu.memref_slice %arg2[%dma_start3A_24] : memref<672xf32, #tpu.memory_space<hbm>> -> memref<96xf32, #tpu.memory_space<hbm>>
    tpu.enqueue_dma source(%dma_start3A_25 : memref<96xf32, #tpu.memory_space<hbm>>) target(%arg10 : memref<96xf32, #tpu.memory_space<vmem>>) target_semaphore(%arg17 : memref<!tpu.dma_semaphore, #tpu.memory_space<semaphore_mem>>)
    %dma_start3A_26 = arith.constant 576 : i32
    %dma_start3A_27 = tpu.memref_slice %arg2[%dma_start3A_26] : memref<672xf32, #tpu.memory_space<hbm>> -> memref<96xf32, #tpu.memory_space<hbm>>
    %dma_start3A_28 = arith.constant 576 : i32
    %dma_start3A_29 = tpu.memref_slice %arg2[%dma_start3A_28] : memref<672xf32, #tpu.memory_space<hbm>> -> memref<96xf32, #tpu.memory_space<hbm>>
    tpu.enqueue_dma source(%dma_start3A_29 : memref<96xf32, #tpu.memory_space<hbm>>) target(%arg11 : memref<96xf32, #tpu.memory_space<vmem>>) target_semaphore(%arg17 : memref<!tpu.dma_semaphore, #tpu.memory_space<semaphore_mem>>)
    %dma_start3A_30 = tpu.memref_slice %arg3[%mul3A_2] : memref<1048576xi32, #tpu.memory_space<hbm>> -> memref<32768xi32, #tpu.memory_space<hbm>>
    %dma_start3A_31 = tpu.memref_slice %arg3[%mul3A_2] : memref<1048576xi32, #tpu.memory_space<hbm>> -> memref<32768xi32, #tpu.memory_space<hbm>>
    tpu.enqueue_dma source(%dma_start3A_31 : memref<32768xi32, #tpu.memory_space<hbm>>) target(%arg12 : memref<32768xi32, #tpu.memory_space<vmem>>) target_semaphore(%arg17 : memref<!tpu.dma_semaphore, #tpu.memory_space<semaphore_mem>>)
    %dma_wait3A = arith.constant 0 : i32
    %dma_wait3A_32 = tpu.memref_slice %arg2[%dma_wait3A] : memref<672xf32, #tpu.memory_space<hbm>> -> memref<96xf32, #tpu.memory_space<hbm>>
    %dma_wait3A_33 = arith.constant 0 : i32
    %dma_wait3A_34 = tpu.memref_slice %arg2[%dma_wait3A_33] : memref<672xf32, #tpu.memory_space<hbm>> -> memref<96xf32, #tpu.memory_space<hbm>>
    tpu.wait_dma2 semaphore(%arg17 : memref<!tpu.dma_semaphore, #tpu.memory_space<semaphore_mem>>) src(%dma_wait3A_34 : memref<96xf32, #tpu.memory_space<hbm>>) dst(%arg5 : memref<96xf32, #tpu.memory_space<vmem>>)
    %dma_wait3A_35 = arith.constant 96 : i32
    %dma_wait3A_36 = tpu.memref_slice %arg2[%dma_wait3A_35] : memref<672xf32, #tpu.memory_space<hbm>> -> memref<96xf32, #tpu.memory_space<hbm>>
    %dma_wait3A_37 = arith.constant 96 : i32
    %dma_wait3A_38 = tpu.memref_slice %arg2[%dma_wait3A_37] : memref<672xf32, #tpu.memory_space<hbm>> -> memref<96xf32, #tpu.memory_space<hbm>>
    tpu.wait_dma2 semaphore(%arg17 : memref<!tpu.dma_semaphore, #tpu.memory_space<semaphore_mem>>) src(%dma_wait3A_38 : memref<96xf32, #tpu.memory_space<hbm>>) dst(%arg6 : memref<96xf32, #tpu.memory_space<vmem>>)
    %dma_wait3A_39 = arith.constant 192 : i32
    %dma_wait3A_40 = tpu.memref_slice %arg2[%dma_wait3A_39] : memref<672xf32, #tpu.memory_space<hbm>> -> memref<96xf32, #tpu.memory_space<hbm>>
    %dma_wait3A_41 = arith.constant 192 : i32
    %dma_wait3A_42 = tpu.memref_slice %arg2[%dma_wait3A_41] : memref<672xf32, #tpu.memory_space<hbm>> -> memref<96xf32, #tpu.memory_space<hbm>>
    tpu.wait_dma2 semaphore(%arg17 : memref<!tpu.dma_semaphore, #tpu.memory_space<semaphore_mem>>) src(%dma_wait3A_42 : memref<96xf32, #tpu.memory_space<hbm>>) dst(%arg7 : memref<96xf32, #tpu.memory_space<vmem>>)
    %dma_wait3A_43 = arith.constant 288 : i32
    %dma_wait3A_44 = tpu.memref_slice %arg2[%dma_wait3A_43] : memref<672xf32, #tpu.memory_space<hbm>> -> memref<96xf32, #tpu.memory_space<hbm>>
    %dma_wait3A_45 = arith.constant 288 : i32
    %dma_wait3A_46 = tpu.memref_slice %arg2[%dma_wait3A_45] : memref<672xf32, #tpu.memory_space<hbm>> -> memref<96xf32, #tpu.memory_space<hbm>>
    tpu.wait_dma2 semaphore(%arg17 : memref<!tpu.dma_semaphore, #tpu.memory_space<semaphore_mem>>) src(%dma_wait3A_46 : memref<96xf32, #tpu.memory_space<hbm>>) dst(%arg8 : memref<96xf32, #tpu.memory_space<vmem>>)
    %dma_wait3A_47 = arith.constant 384 : i32
    %dma_wait3A_48 = tpu.memref_slice %arg2[%dma_wait3A_47] : memref<672xf32, #tpu.memory_space<hbm>> -> memref<96xf32, #tpu.memory_space<hbm>>
    %dma_wait3A_49 = arith.constant 384 : i32
    %dma_wait3A_50 = tpu.memref_slice %arg2[%dma_wait3A_49] : memref<672xf32, #tpu.memory_space<hbm>> -> memref<96xf32, #tpu.memory_space<hbm>>
    tpu.wait_dma2 semaphore(%arg17 : memref<!tpu.dma_semaphore, #tpu.memory_space<semaphore_mem>>) src(%dma_wait3A_50 : memref<96xf32, #tpu.memory_space<hbm>>) dst(%arg9 : memref<96xf32, #tpu.memory_space<vmem>>)
    %dma_wait3A_51 = arith.constant 480 : i32
    %dma_wait3A_52 = tpu.memref_slice %arg2[%dma_wait3A_51] : memref<672xf32, #tpu.memory_space<hbm>> -> memref<96xf32, #tpu.memory_space<hbm>>
    %dma_wait3A_53 = arith.constant 480 : i32
    %dma_wait3A_54 = tpu.memref_slice %arg2[%dma_wait3A_53] : memref<672xf32, #tpu.memory_space<hbm>> -> memref<96xf32, #tpu.memory_space<hbm>>
    tpu.wait_dma2 semaphore(%arg17 : memref<!tpu.dma_semaphore, #tpu.memory_space<semaphore_mem>>) src(%dma_wait3A_54 : memref<96xf32, #tpu.memory_space<hbm>>) dst(%arg10 : memref<96xf32, #tpu.memory_space<vmem>>)
    %dma_wait3A_55 = arith.constant 576 : i32
    %dma_wait3A_56 = tpu.memref_slice %arg2[%dma_wait3A_55] : memref<672xf32, #tpu.memory_space<hbm>> -> memref<96xf32, #tpu.memory_space<hbm>>
    %dma_wait3A_57 = arith.constant 576 : i32
    %dma_wait3A_58 = tpu.memref_slice %arg2[%dma_wait3A_57] : memref<672xf32, #tpu.memory_space<hbm>> -> memref<96xf32, #tpu.memory_space<hbm>>
    tpu.wait_dma2 semaphore(%arg17 : memref<!tpu.dma_semaphore, #tpu.memory_space<semaphore_mem>>) src(%dma_wait3A_58 : memref<96xf32, #tpu.memory_space<hbm>>) dst(%arg11 : memref<96xf32, #tpu.memory_space<vmem>>)
    %dma_wait3A_59 = tpu.memref_slice %arg3[%mul3A_2] : memref<1048576xi32, #tpu.memory_space<hbm>> -> memref<32768xi32, #tpu.memory_space<hbm>>
    %dma_wait3A_60 = tpu.memref_slice %arg3[%mul3A_2] : memref<1048576xi32, #tpu.memory_space<hbm>> -> memref<32768xi32, #tpu.memory_space<hbm>>
    tpu.wait_dma2 semaphore(%arg17 : memref<!tpu.dma_semaphore, #tpu.memory_space<semaphore_mem>>) src(%dma_wait3A_60 : memref<32768xi32, #tpu.memory_space<hbm>>) dst(%arg12 : memref<32768xi32, #tpu.memory_space<vmem>>)
    %parallel_loop3A = arith.constant 0 : i32
    %parallel_loop3A_61 = arith.constant 256 : i32
    %parallel_loop3A_62 = arith.constant 1 : i32
    scf.for %parallel_loop3A_164 = %parallel_loop3A to %parallel_loop3A_61 step %parallel_loop3A_62  : i32 {
      %parallel_loop3A_165 = arith.constant 16 : i32
      %parallel_loop3A_166 = arith.muli %parallel_loop3A_164, %parallel_loop3A_165 : i32
      %parallel_loop3A_167 = arith.constant 0 : i32
      %parallel_loop3A_168 = arith.addi %parallel_loop3A_167, %parallel_loop3A_166 : i32
      %parallel_loop3A_169 = arith.index_cast %parallel_loop3A_168 : i32 to index
      %parallel_loop3A_170 = tpu.vector_load %arg12[%parallel_loop3A_169] {strides = array<i32>} : memref<32768xi32, #tpu.memory_space<vmem>>, vector<16xi32>,
      %parallel_loop3A_171 = tpu.vector_load_idx %arg5[%parallel_loop3A_170] : memref<96xf32, #tpu.memory_space<vmem>>[vector<16xi32>], vector<16xf32>,
      %parallel_loop3A_172 = arith.constant 16 : i32
      %parallel_loop3A_173 = arith.muli %parallel_loop3A_164, %parallel_loop3A_172 : i32
      %parallel_loop3A_174 = arith.constant 0 : i32
      %parallel_loop3A_175 = arith.index_cast %parallel_loop3A_174 : i32 to index
      %parallel_loop3A_176 = arith.index_cast %parallel_loop3A_173 : i32 to index
      %parallel_loop3A_177 = tpu.vector_load %arg13[%parallel_loop3A_175, %parallel_loop3A_176] {strides = array<i32>} : memref<7x4096xf32, #tpu.memory_space<vmem>>, vector<16xf32>,
      tpu.vector_store %arg13[%parallel_loop3A_175, %parallel_loop3A_176], %parallel_loop3A_171 {strides = array<i32>} : memref<7x4096xf32, #tpu.memory_space<vmem>>, vector<16xf32>,
      %parallel_loop3A_178 = tpu.vector_load_idx %arg6[%parallel_loop3A_170] : memref<96xf32, #tpu.memory_space<vmem>>[vector<16xi32>], vector<16xf32>,
      %parallel_loop3A_179 = arith.constant 16 : i32
      %parallel_loop3A_180 = arith.muli %parallel_loop3A_164, %parallel_loop3A_179 : i32
      %parallel_loop3A_181 = arith.constant 1 : i32
      %parallel_loop3A_182 = arith.index_cast %parallel_loop3A_181 : i32 to index
      %parallel_loop3A_183 = arith.index_cast %parallel_loop3A_180 : i32 to index
      %parallel_loop3A_184 = tpu.vector_load %arg13[%parallel_loop3A_182, %parallel_loop3A_183] {strides = array<i32>} : memref<7x4096xf32, #tpu.memory_space<vmem>>, vector<16xf32>,
      tpu.vector_store %arg13[%parallel_loop3A_182, %parallel_loop3A_183], %parallel_loop3A_178 {strides = array<i32>} : memref<7x4096xf32, #tpu.memory_space<vmem>>, vector<16xf32>,
      %parallel_loop3A_185 = tpu.vector_load_idx %arg7[%parallel_loop3A_170] : memref<96xf32, #tpu.memory_space<vmem>>[vector<16xi32>], vector<16xf32>,
      %parallel_loop3A_186 = arith.constant 16 : i32
      %parallel_loop3A_187 = arith.muli %parallel_loop3A_164, %parallel_loop3A_186 : i32
      %parallel_loop3A_188 = arith.constant 2 : i32
      %parallel_loop3A_189 = arith.index_cast %parallel_loop3A_188 : i32 to index
      %parallel_loop3A_190 = arith.index_cast %parallel_loop3A_187 : i32 to index
      %parallel_loop3A_191 = tpu.vector_load %arg13[%parallel_loop3A_189, %parallel_loop3A_190] {strides = array<i32>} : memref<7x4096xf32, #tpu.memory_space<vmem>>, vector<16xf32>,
      tpu.vector_store %arg13[%parallel_loop3A_189, %parallel_loop3A_190], %parallel_loop3A_185 {strides = array<i32>} : memref<7x4096xf32, #tpu.memory_space<vmem>>, vector<16xf32>,
      %parallel_loop3A_192 = tpu.vector_load_idx %arg8[%parallel_loop3A_170] : memref<96xf32, #tpu.memory_space<vmem>>[vector<16xi32>], vector<16xf32>,
      %parallel_loop3A_193 = arith.constant 16 : i32
      %parallel_loop3A_194 = arith.muli %parallel_loop3A_164, %parallel_loop3A_193 : i32
      %parallel_loop3A_195 = arith.constant 3 : i32
      %parallel_loop3A_196 = arith.index_cast %parallel_loop3A_195 : i32 to index
      %parallel_loop3A_197 = arith.index_cast %parallel_loop3A_194 : i32 to index
      %parallel_loop3A_198 = tpu.vector_load %arg13[%parallel_loop3A_196, %parallel_loop3A_197] {strides = array<i32>} : memref<7x4096xf32, #tpu.memory_space<vmem>>, vector<16xf32>,
      tpu.vector_store %arg13[%parallel_loop3A_196, %parallel_loop3A_197], %parallel_loop3A_192 {strides = array<i32>} : memref<7x4096xf32, #tpu.memory_space<vmem>>, vector<16xf32>,
      %parallel_loop3A_199 = tpu.vector_load_idx %arg9[%parallel_loop3A_170] : memref<96xf32, #tpu.memory_space<vmem>>[vector<16xi32>], vector<16xf32>,
      %parallel_loop3A_200 = arith.constant 16 : i32
      %parallel_loop3A_201 = arith.muli %parallel_loop3A_164, %parallel_loop3A_200 : i32
      %parallel_loop3A_202 = arith.constant 4 : i32
      %parallel_loop3A_203 = arith.index_cast %parallel_loop3A_202 : i32 to index
      %parallel_loop3A_204 = arith.index_cast %parallel_loop3A_201 : i32 to index
      %parallel_loop3A_205 = tpu.vector_load %arg13[%parallel_loop3A_203, %parallel_loop3A_204] {strides = array<i32>} : memref<7x4096xf32, #tpu.memory_space<vmem>>, vector<16xf32>,
      tpu.vector_store %arg13[%parallel_loop3A_203, %parallel_loop3A_204], %parallel_loop3A_199 {strides = array<i32>} : memref<7x4096xf32, #tpu.memory_space<vmem>>, vector<16xf32>,
      %parallel_loop3A_206 = tpu.vector_load_idx %arg10[%parallel_loop3A_170] : memref<96xf32, #tpu.memory_space<vmem>>[vector<16xi32>], vector<16xf32>,
      %parallel_loop3A_207 = arith.constant 16 : i32
      %parallel_loop3A_208 = arith.muli %parallel_loop3A_164, %parallel_loop3A_207 : i32
      %parallel_loop3A_209 = arith.constant 5 : i32
      %parallel_loop3A_210 = arith.index_cast %parallel_loop3A_209 : i32 to index
      %parallel_loop3A_211 = arith.index_cast %parallel_loop3A_208 : i32 to index
      %parallel_loop3A_212 = tpu.vector_load %arg13[%parallel_loop3A_210, %parallel_loop3A_211] {strides = array<i32>} : memref<7x4096xf32, #tpu.memory_space<vmem>>, vector<16xf32>,
      tpu.vector_store %arg13[%parallel_loop3A_210, %parallel_loop3A_211], %parallel_loop3A_206 {strides = array<i32>} : memref<7x4096xf32, #tpu.memory_space<vmem>>, vector<16xf32>,
      %parallel_loop3A_213 = tpu.vector_load_idx %arg11[%parallel_loop3A_170] : memref<96xf32, #tpu.memory_space<vmem>>[vector<16xi32>], vector<16xf32>,
      %parallel_loop3A_214 = arith.constant 16 : i32
      %parallel_loop3A_215 = arith.muli %parallel_loop3A_164, %parallel_loop3A_214 : i32
      %parallel_loop3A_216 = arith.constant 6 : i32
      %parallel_loop3A_217 = arith.index_cast %parallel_loop3A_216 : i32 to index
      %parallel_loop3A_218 = arith.index_cast %parallel_loop3A_215 : i32 to index
      %parallel_loop3A_219 = tpu.vector_load %arg13[%parallel_loop3A_217, %parallel_loop3A_218] {strides = array<i32>} : memref<7x4096xf32, #tpu.memory_space<vmem>>, vector<16xf32>,
      tpu.vector_store %arg13[%parallel_loop3A_217, %parallel_loop3A_218], %parallel_loop3A_213 {strides = array<i32>} : memref<7x4096xf32, #tpu.memory_space<vmem>>, vector<16xf32>,
    } {sc.loop_unroll_factor = 1 : i64, sc.parallel_access}
    %add3A_63 = arith.constant 0 : i32
    %add3A_64 = arith.addi %mul3A_2, %add3A_63 : i32
    %dma_start3A_65 = arith.constant 0 : i32
    %dma_start3A_66 = tpu.memref_slice %arg4[%dma_start3A_65, %add3A_64] : memref<7x1048576xf32, #tpu.memory_space<hbm>> -> memref<7x4096xf32, #tpu.memory_space<hbm>>
    %dma_start3A_67 = arith.constant 0 : i32
    %dma_start3A_68 = tpu.memref_slice %arg4[%dma_start3A_67, %add3A_64] : memref<7x1048576xf32, #tpu.memory_space<hbm>> -> memref<7x4096xf32, #tpu.memory_space<hbm>>
    tpu.enqueue_dma source(%arg13 : memref<7x4096xf32, #tpu.memory_space<vmem>>) target(%dma_start3A_68 : memref<7x4096xf32, #tpu.memory_space<hbm>>) target_semaphore(%arg15 : memref<!tpu.dma_semaphore, #tpu.memory_space<semaphore_mem>>)
    %parallel_loop3A_69 = arith.constant 0 : i32
    %parallel_loop3A_70 = arith.constant 256 : i32
    %parallel_loop3A_71 = arith.constant 1 : i32
    scf.for %parallel_loop3A_164 = %parallel_loop3A_69 to %parallel_loop3A_70 step %parallel_loop3A_71  : i32 {
      %parallel_loop3A_165 = arith.constant 16 : i32
      %parallel_loop3A_166 = arith.muli %parallel_loop3A_164, %parallel_loop3A_165 : i32
      %parallel_loop3A_167 = arith.constant 4096 : i32
      %parallel_loop3A_168 = arith.addi %parallel_loop3A_167, %parallel_loop3A_166 : i32
      %parallel_loop3A_169 = arith.index_cast %parallel_loop3A_168 : i32 to index
      %parallel_loop3A_170 = tpu.vector_load %arg12[%parallel_loop3A_169] {strides = array<i32>} : memref<32768xi32, #tpu.memory_space<vmem>>, vector<16xi32>,
      %parallel_loop3A_171 = tpu.vector_load_idx %arg5[%parallel_loop3A_170] : memref<96xf32, #tpu.memory_space<vmem>>[vector<16xi32>], vector<16xf32>,
      %parallel_loop3A_172 = arith.constant 16 : i32
      %parallel_loop3A_173 = arith.muli %parallel_loop3A_164, %parallel_loop3A_172 : i32
      %parallel_loop3A_174 = arith.constant 0 : i32
      %parallel_loop3A_175 = arith.index_cast %parallel_loop3A_174 : i32 to index
      %parallel_loop3A_176 = arith.index_cast %parallel_loop3A_173 : i32 to index
      %parallel_loop3A_177 = tpu.vector_load %arg14[%parallel_loop3A_175, %parallel_loop3A_176] {strides = array<i32>} : memref<7x4096xf32, #tpu.memory_space<vmem>>, vector<16xf32>,
      tpu.vector_store %arg14[%parallel_loop3A_175, %parallel_loop3A_176], %parallel_loop3A_171 {strides = array<i32>} : memref<7x4096xf32, #tpu.memory_space<vmem>>, vector<16xf32>,
      %parallel_loop3A_178 = tpu.vector_load_idx %arg6[%parallel_loop3A_170] : memref<96xf32, #tpu.memory_space<vmem>>[vector<16xi32>], vector<16xf32>,
      %parallel_loop3A_179 = arith.constant 16 : i32
      %parallel_loop3A_180 = arith.muli %parallel_loop3A_164, %parallel_loop3A_179 : i32
      %parallel_loop3A_181 = arith.constant 1 : i32
      %parallel_loop3A_182 = arith.index_cast %parallel_loop3A_181 : i32 to index
      %parallel_loop3A_183 = arith.index_cast %parallel_loop3A_180 : i32 to index
      %parallel_loop3A_184 = tpu.vector_load %arg14[%parallel_loop3A_182, %parallel_loop3A_183] {strides = array<i32>} : memref<7x4096xf32, #tpu.memory_space<vmem>>, vector<16xf32>,
      tpu.vector_store %arg14[%parallel_loop3A_182, %parallel_loop3A_183], %parallel_loop3A_178 {strides = array<i32>} : memref<7x4096xf32, #tpu.memory_space<vmem>>, vector<16xf32>,
      %parallel_loop3A_185 = tpu.vector_load_idx %arg7[%parallel_loop3A_170] : memref<96xf32, #tpu.memory_space<vmem>>[vector<16xi32>], vector<16xf32>,
      %parallel_loop3A_186 = arith.constant 16 : i32
      %parallel_loop3A_187 = arith.muli %parallel_loop3A_164, %parallel_loop3A_186 : i32
      %parallel_loop3A_188 = arith.constant 2 : i32
      %parallel_loop3A_189 = arith.index_cast %parallel_loop3A_188 : i32 to index
      %parallel_loop3A_190 = arith.index_cast %parallel_loop3A_187 : i32 to index
      %parallel_loop3A_191 = tpu.vector_load %arg14[%parallel_loop3A_189, %parallel_loop3A_190] {strides = array<i32>} : memref<7x4096xf32, #tpu.memory_space<vmem>>, vector<16xf32>,
      tpu.vector_store %arg14[%parallel_loop3A_189, %parallel_loop3A_190], %parallel_loop3A_185 {strides = array<i32>} : memref<7x4096xf32, #tpu.memory_space<vmem>>, vector<16xf32>,
      %parallel_loop3A_192 = tpu.vector_load_idx %arg8[%parallel_loop3A_170] : memref<96xf32, #tpu.memory_space<vmem>>[vector<16xi32>], vector<16xf32>,
      %parallel_loop3A_193 = arith.constant 16 : i32
      %parallel_loop3A_194 = arith.muli %parallel_loop3A_164, %parallel_loop3A_193 : i32
      %parallel_loop3A_195 = arith.constant 3 : i32
      %parallel_loop3A_196 = arith.index_cast %parallel_loop3A_195 : i32 to index
      %parallel_loop3A_197 = arith.index_cast %parallel_loop3A_194 : i32 to index
      %parallel_loop3A_198 = tpu.vector_load %arg14[%parallel_loop3A_196, %parallel_loop3A_197] {strides = array<i32>} : memref<7x4096xf32, #tpu.memory_space<vmem>>, vector<16xf32>,
      tpu.vector_store %arg14[%parallel_loop3A_196, %parallel_loop3A_197], %parallel_loop3A_192 {strides = array<i32>} : memref<7x4096xf32, #tpu.memory_space<vmem>>, vector<16xf32>,
      %parallel_loop3A_199 = tpu.vector_load_idx %arg9[%parallel_loop3A_170] : memref<96xf32, #tpu.memory_space<vmem>>[vector<16xi32>], vector<16xf32>,
      %parallel_loop3A_200 = arith.constant 16 : i32
      %parallel_loop3A_201 = arith.muli %parallel_loop3A_164, %parallel_loop3A_200 : i32
      %parallel_loop3A_202 = arith.constant 4 : i32
      %parallel_loop3A_203 = arith.index_cast %parallel_loop3A_202 : i32 to index
      %parallel_loop3A_204 = arith.index_cast %parallel_loop3A_201 : i32 to index
      %parallel_loop3A_205 = tpu.vector_load %arg14[%parallel_loop3A_203, %parallel_loop3A_204] {strides = array<i32>} : memref<7x4096xf32, #tpu.memory_space<vmem>>, vector<16xf32>,
      tpu.vector_store %arg14[%parallel_loop3A_203, %parallel_loop3A_204], %parallel_loop3A_199 {strides = array<i32>} : memref<7x4096xf32, #tpu.memory_space<vmem>>, vector<16xf32>,
      %parallel_loop3A_206 = tpu.vector_load_idx %arg10[%parallel_loop3A_170] : memref<96xf32, #tpu.memory_space<vmem>>[vector<16xi32>], vector<16xf32>,
      %parallel_loop3A_207 = arith.constant 16 : i32
      %parallel_loop3A_208 = arith.muli %parallel_loop3A_164, %parallel_loop3A_207 : i32
      %parallel_loop3A_209 = arith.constant 5 : i32
      %parallel_loop3A_210 = arith.index_cast %parallel_loop3A_209 : i32 to index
      %parallel_loop3A_211 = arith.index_cast %parallel_loop3A_208 : i32 to index
      %parallel_loop3A_212 = tpu.vector_load %arg14[%parallel_loop3A_210, %parallel_loop3A_211] {strides = array<i32>} : memref<7x4096xf32, #tpu.memory_space<vmem>>, vector<16xf32>,
      tpu.vector_store %arg14[%parallel_loop3A_210, %parallel_loop3A_211], %parallel_loop3A_206 {strides = array<i32>} : memref<7x4096xf32, #tpu.memory_space<vmem>>, vector<16xf32>,
      %parallel_loop3A_213 = tpu.vector_load_idx %arg11[%parallel_loop3A_170] : memref<96xf32, #tpu.memory_space<vmem>>[vector<16xi32>], vector<16xf32>,
      %parallel_loop3A_214 = arith.constant 16 : i32
      %parallel_loop3A_215 = arith.muli %parallel_loop3A_164, %parallel_loop3A_214 : i32
      %parallel_loop3A_216 = arith.constant 6 : i32
      %parallel_loop3A_217 = arith.index_cast %parallel_loop3A_216 : i32 to index
      %parallel_loop3A_218 = arith.index_cast %parallel_loop3A_215 : i32 to index
      %parallel_loop3A_219 = tpu.vector_load %arg14[%parallel_loop3A_217, %parallel_loop3A_218] {strides = array<i32>} : memref<7x4096xf32, #tpu.memory_space<vmem>>, vector<16xf32>,
      tpu.vector_store %arg14[%parallel_loop3A_217, %parallel_loop3A_218], %parallel_loop3A_213 {strides = array<i32>} : memref<7x4096xf32, #tpu.memory_space<vmem>>, vector<16xf32>,
    } {sc.loop_unroll_factor = 1 : i64, sc.parallel_access}
    %add3A_72 = arith.constant 4096 : i32
    %add3A_73 = arith.addi %mul3A_2, %add3A_72 : i32
    %dma_start3A_74 = arith.constant 0 : i32
    %dma_start3A_75 = tpu.memref_slice %arg4[%dma_start3A_74, %add3A_73] : memref<7x1048576xf32, #tpu.memory_space<hbm>> -> memref<7x4096xf32, #tpu.memory_space<hbm>>
    %dma_start3A_76 = arith.constant 0 : i32
    %dma_start3A_77 = tpu.memref_slice %arg4[%dma_start3A_76, %add3A_73] : memref<7x1048576xf32, #tpu.memory_space<hbm>> -> memref<7x4096xf32, #tpu.memory_space<hbm>>
    tpu.enqueue_dma source(%arg14 : memref<7x4096xf32, #tpu.memory_space<vmem>>) target(%dma_start3A_77 : memref<7x4096xf32, #tpu.memory_space<hbm>>) target_semaphore(%arg16 : memref<!tpu.dma_semaphore, #tpu.memory_space<semaphore_mem>>)
    %dma_wait3A_78 = arith.constant 0 : i32
    %dma_wait3A_79 = tpu.memref_slice %arg4[%dma_wait3A_78, %add3A_64] : memref<7x1048576xf32, #tpu.memory_space<hbm>> -> memref<7x4096xf32, #tpu.memory_space<hbm>>
    %dma_wait3A_80 = arith.constant 0 : i32
    %dma_wait3A_81 = tpu.memref_slice %arg4[%dma_wait3A_80, %add3A_64] : memref<7x1048576xf32, #tpu.memory_space<hbm>> -> memref<7x4096xf32, #tpu.memory_space<hbm>>
    tpu.wait_dma2 semaphore(%arg15 : memref<!tpu.dma_semaphore, #tpu.memory_space<semaphore_mem>>) src(%arg13 : memref<7x4096xf32, #tpu.memory_space<vmem>>) dst(%dma_wait3A_81 : memref<7x4096xf32, #tpu.memory_space<hbm>>)
    %parallel_loop3A_82 = arith.constant 0 : i32
    %parallel_loop3A_83 = arith.constant 256 : i32
    %parallel_loop3A_84 = arith.constant 1 : i32
    scf.for %parallel_loop3A_164 = %parallel_loop3A_82 to %parallel_loop3A_83 step %parallel_loop3A_84  : i32 {
      %parallel_loop3A_165 = arith.constant 16 : i32
      %parallel_loop3A_166 = arith.muli %parallel_loop3A_164, %parallel_loop3A_165 : i32
      %parallel_loop3A_167 = arith.constant 8192 : i32
      %parallel_loop3A_168 = arith.addi %parallel_loop3A_167, %parallel_loop3A_166 : i32
      %parallel_loop3A_169 = arith.index_cast %parallel_loop3A_168 : i32 to index
      %parallel_loop3A_170 = tpu.vector_load %arg12[%parallel_loop3A_169] {strides = array<i32>} : memref<32768xi32, #tpu.memory_space<vmem>>, vector<16xi32>,
      %parallel_loop3A_171 = tpu.vector_load_idx %arg5[%parallel_loop3A_170] : memref<96xf32, #tpu.memory_space<vmem>>[vector<16xi32>], vector<16xf32>,
      %parallel_loop3A_172 = arith.constant 16 : i32
      %parallel_loop3A_173 = arith.muli %parallel_loop3A_164, %parallel_loop3A_172 : i32
      %parallel_loop3A_174 = arith.constant 0 : i32
      %parallel_loop3A_175 = arith.index_cast %parallel_loop3A_174 : i32 to index
      %parallel_loop3A_176 = arith.index_cast %parallel_loop3A_173 : i32 to index
      %parallel_loop3A_177 = tpu.vector_load %arg13[%parallel_loop3A_175, %parallel_loop3A_176] {strides = array<i32>} : memref<7x4096xf32, #tpu.memory_space<vmem>>, vector<16xf32>,
      tpu.vector_store %arg13[%parallel_loop3A_175, %parallel_loop3A_176], %parallel_loop3A_171 {strides = array<i32>} : memref<7x4096xf32, #tpu.memory_space<vmem>>, vector<16xf32>,
      %parallel_loop3A_178 = tpu.vector_load_idx %arg6[%parallel_loop3A_170] : memref<96xf32, #tpu.memory_space<vmem>>[vector<16xi32>], vector<16xf32>,
      %parallel_loop3A_179 = arith.constant 16 : i32
      %parallel_loop3A_180 = arith.muli %parallel_loop3A_164, %parallel_loop3A_179 : i32
      %parallel_loop3A_181 = arith.constant 1 : i32
      %parallel_loop3A_182 = arith.index_cast %parallel_loop3A_181 : i32 to index
      %parallel_loop3A_183 = arith.index_cast %parallel_loop3A_180 : i32 to index
      %parallel_loop3A_184 = tpu.vector_load %arg13[%parallel_loop3A_182, %parallel_loop3A_183] {strides = array<i32>} : memref<7x4096xf32, #tpu.memory_space<vmem>>, vector<16xf32>,
      tpu.vector_store %arg13[%parallel_loop3A_182, %parallel_loop3A_183], %parallel_loop3A_178 {strides = array<i32>} : memref<7x4096xf32, #tpu.memory_space<vmem>>, vector<16xf32>,
      %parallel_loop3A_185 = tpu.vector_load_idx %arg7[%parallel_loop3A_170] : memref<96xf32, #tpu.memory_space<vmem>>[vector<16xi32>], vector<16xf32>,
      %parallel_loop3A_186 = arith.constant 16 : i32
      %parallel_loop3A_187 = arith.muli %parallel_loop3A_164, %parallel_loop3A_186 : i32
      %parallel_loop3A_188 = arith.constant 2 : i32
      %parallel_loop3A_189 = arith.index_cast %parallel_loop3A_188 : i32 to index
      %parallel_loop3A_190 = arith.index_cast %parallel_loop3A_187 : i32 to index
      %parallel_loop3A_191 = tpu.vector_load %arg13[%parallel_loop3A_189, %parallel_loop3A_190] {strides = array<i32>} : memref<7x4096xf32, #tpu.memory_space<vmem>>, vector<16xf32>,
      tpu.vector_store %arg13[%parallel_loop3A_189, %parallel_loop3A_190], %parallel_loop3A_185 {strides = array<i32>} : memref<7x4096xf32, #tpu.memory_space<vmem>>, vector<16xf32>,
      %parallel_loop3A_192 = tpu.vector_load_idx %arg8[%parallel_loop3A_170] : memref<96xf32, #tpu.memory_space<vmem>>[vector<16xi32>], vector<16xf32>,
      %parallel_loop3A_193 = arith.constant 16 : i32
      %parallel_loop3A_194 = arith.muli %parallel_loop3A_164, %parallel_loop3A_193 : i32
      %parallel_loop3A_195 = arith.constant 3 : i32
      %parallel_loop3A_196 = arith.index_cast %parallel_loop3A_195 : i32 to index
      %parallel_loop3A_197 = arith.index_cast %parallel_loop3A_194 : i32 to index
      %parallel_loop3A_198 = tpu.vector_load %arg13[%parallel_loop3A_196, %parallel_loop3A_197] {strides = array<i32>} : memref<7x4096xf32, #tpu.memory_space<vmem>>, vector<16xf32>,
      tpu.vector_store %arg13[%parallel_loop3A_196, %parallel_loop3A_197], %parallel_loop3A_192 {strides = array<i32>} : memref<7x4096xf32, #tpu.memory_space<vmem>>, vector<16xf32>,
      %parallel_loop3A_199 = tpu.vector_load_idx %arg9[%parallel_loop3A_170] : memref<96xf32, #tpu.memory_space<vmem>>[vector<16xi32>], vector<16xf32>,
      %parallel_loop3A_200 = arith.constant 16 : i32
      %parallel_loop3A_201 = arith.muli %parallel_loop3A_164, %parallel_loop3A_200 : i32
      %parallel_loop3A_202 = arith.constant 4 : i32
      %parallel_loop3A_203 = arith.index_cast %parallel_loop3A_202 : i32 to index
      %parallel_loop3A_204 = arith.index_cast %parallel_loop3A_201 : i32 to index
      %parallel_loop3A_205 = tpu.vector_load %arg13[%parallel_loop3A_203, %parallel_loop3A_204] {strides = array<i32>} : memref<7x4096xf32, #tpu.memory_space<vmem>>, vector<16xf32>,
      tpu.vector_store %arg13[%parallel_loop3A_203, %parallel_loop3A_204], %parallel_loop3A_199 {strides = array<i32>} : memref<7x4096xf32, #tpu.memory_space<vmem>>, vector<16xf32>,
      %parallel_loop3A_206 = tpu.vector_load_idx %arg10[%parallel_loop3A_170] : memref<96xf32, #tpu.memory_space<vmem>>[vector<16xi32>], vector<16xf32>,
      %parallel_loop3A_207 = arith.constant 16 : i32
      %parallel_loop3A_208 = arith.muli %parallel_loop3A_164, %parallel_loop3A_207 : i32
      %parallel_loop3A_209 = arith.constant 5 : i32
      %parallel_loop3A_210 = arith.index_cast %parallel_loop3A_209 : i32 to index
      %parallel_loop3A_211 = arith.index_cast %parallel_loop3A_208 : i32 to index
      %parallel_loop3A_212 = tpu.vector_load %arg13[%parallel_loop3A_210, %parallel_loop3A_211] {strides = array<i32>} : memref<7x4096xf32, #tpu.memory_space<vmem>>, vector<16xf32>,
      tpu.vector_store %arg13[%parallel_loop3A_210, %parallel_loop3A_211], %parallel_loop3A_206 {strides = array<i32>} : memref<7x4096xf32, #tpu.memory_space<vmem>>, vector<16xf32>,
      %parallel_loop3A_213 = tpu.vector_load_idx %arg11[%parallel_loop3A_170] : memref<96xf32, #tpu.memory_space<vmem>>[vector<16xi32>], vector<16xf32>,
      %parallel_loop3A_214 = arith.constant 16 : i32
      %parallel_loop3A_215 = arith.muli %parallel_loop3A_164, %parallel_loop3A_214 : i32
      %parallel_loop3A_216 = arith.constant 6 : i32
      %parallel_loop3A_217 = arith.index_cast %parallel_loop3A_216 : i32 to index
      %parallel_loop3A_218 = arith.index_cast %parallel_loop3A_215 : i32 to index
      %parallel_loop3A_219 = tpu.vector_load %arg13[%parallel_loop3A_217, %parallel_loop3A_218] {strides = array<i32>} : memref<7x4096xf32, #tpu.memory_space<vmem>>, vector<16xf32>,
      tpu.vector_store %arg13[%parallel_loop3A_217, %parallel_loop3A_218], %parallel_loop3A_213 {strides = array<i32>} : memref<7x4096xf32, #tpu.memory_space<vmem>>, vector<16xf32>,
    } {sc.loop_unroll_factor = 1 : i64, sc.parallel_access}
    %add3A_85 = arith.constant 8192 : i32
    %add3A_86 = arith.addi %mul3A_2, %add3A_85 : i32
    %dma_start3A_87 = arith.constant 0 : i32
    %dma_start3A_88 = tpu.memref_slice %arg4[%dma_start3A_87, %add3A_86] : memref<7x1048576xf32, #tpu.memory_space<hbm>> -> memref<7x4096xf32, #tpu.memory_space<hbm>>
    %dma_start3A_89 = arith.constant 0 : i32
    %dma_start3A_90 = tpu.memref_slice %arg4[%dma_start3A_89, %add3A_86] : memref<7x1048576xf32, #tpu.memory_space<hbm>> -> memref<7x4096xf32, #tpu.memory_space<hbm>>
    tpu.enqueue_dma source(%arg13 : memref<7x4096xf32, #tpu.memory_space<vmem>>) target(%dma_start3A_90 : memref<7x4096xf32, #tpu.memory_space<hbm>>) target_semaphore(%arg15 : memref<!tpu.dma_semaphore, #tpu.memory_space<semaphore_mem>>)
    %dma_wait3A_91 = arith.constant 0 : i32
    %dma_wait3A_92 = tpu.memref_slice %arg4[%dma_wait3A_91, %add3A_73] : memref<7x1048576xf32, #tpu.memory_space<hbm>> -> memref<7x4096xf32, #tpu.memory_space<hbm>>
    %dma_wait3A_93 = arith.constant 0 : i32
    %dma_wait3A_94 = tpu.memref_slice %arg4[%dma_wait3A_93, %add3A_73] : memref<7x1048576xf32, #tpu.memory_space<hbm>> -> memref<7x4096xf32, #tpu.memory_space<hbm>>
    tpu.wait_dma2 semaphore(%arg16 : memref<!tpu.dma_semaphore, #tpu.memory_space<semaphore_mem>>) src(%arg14 : memref<7x4096xf32, #tpu.memory_space<vmem>>) dst(%dma_wait3A_94 : memref<7x4096xf32, #tpu.memory_space<hbm>>)
    %parallel_loop3A_95 = arith.constant 0 : i32
    %parallel_loop3A_96 = arith.constant 256 : i32
    %parallel_loop3A_97 = arith.constant 1 : i32
    scf.for %parallel_loop3A_164 = %parallel_loop3A_95 to %parallel_loop3A_96 step %parallel_loop3A_97  : i32 {
      %parallel_loop3A_165 = arith.constant 16 : i32
      %parallel_loop3A_166 = arith.muli %parallel_loop3A_164, %parallel_loop3A_165 : i32
      %parallel_loop3A_167 = arith.constant 12288 : i32
      %parallel_loop3A_168 = arith.addi %parallel_loop3A_167, %parallel_loop3A_166 : i32
      %parallel_loop3A_169 = arith.index_cast %parallel_loop3A_168 : i32 to index
      %parallel_loop3A_170 = tpu.vector_load %arg12[%parallel_loop3A_169] {strides = array<i32>} : memref<32768xi32, #tpu.memory_space<vmem>>, vector<16xi32>,
      %parallel_loop3A_171 = tpu.vector_load_idx %arg5[%parallel_loop3A_170] : memref<96xf32, #tpu.memory_space<vmem>>[vector<16xi32>], vector<16xf32>,
      %parallel_loop3A_172 = arith.constant 16 : i32
      %parallel_loop3A_173 = arith.muli %parallel_loop3A_164, %parallel_loop3A_172 : i32
      %parallel_loop3A_174 = arith.constant 0 : i32
      %parallel_loop3A_175 = arith.index_cast %parallel_loop3A_174 : i32 to index
      %parallel_loop3A_176 = arith.index_cast %parallel_loop3A_173 : i32 to index
      %parallel_loop3A_177 = tpu.vector_load %arg14[%parallel_loop3A_175, %parallel_loop3A_176] {strides = array<i32>} : memref<7x4096xf32, #tpu.memory_space<vmem>>, vector<16xf32>,
      tpu.vector_store %arg14[%parallel_loop3A_175, %parallel_loop3A_176], %parallel_loop3A_171 {strides = array<i32>} : memref<7x4096xf32, #tpu.memory_space<vmem>>, vector<16xf32>,
      %parallel_loop3A_178 = tpu.vector_load_idx %arg6[%parallel_loop3A_170] : memref<96xf32, #tpu.memory_space<vmem>>[vector<16xi32>], vector<16xf32>,
      %parallel_loop3A_179 = arith.constant 16 : i32
      %parallel_loop3A_180 = arith.muli %parallel_loop3A_164, %parallel_loop3A_179 : i32
      %parallel_loop3A_181 = arith.constant 1 : i32
      %parallel_loop3A_182 = arith.index_cast %parallel_loop3A_181 : i32 to index
      %parallel_loop3A_183 = arith.index_cast %parallel_loop3A_180 : i32 to index
      %parallel_loop3A_184 = tpu.vector_load %arg14[%parallel_loop3A_182, %parallel_loop3A_183] {strides = array<i32>} : memref<7x4096xf32, #tpu.memory_space<vmem>>, vector<16xf32>,
      tpu.vector_store %arg14[%parallel_loop3A_182, %parallel_loop3A_183], %parallel_loop3A_178 {strides = array<i32>} : memref<7x4096xf32, #tpu.memory_space<vmem>>, vector<16xf32>,
      %parallel_loop3A_185 = tpu.vector_load_idx %arg7[%parallel_loop3A_170] : memref<96xf32, #tpu.memory_space<vmem>>[vector<16xi32>], vector<16xf32>,
      %parallel_loop3A_186 = arith.constant 16 : i32
      %parallel_loop3A_187 = arith.muli %parallel_loop3A_164, %parallel_loop3A_186 : i32
      %parallel_loop3A_188 = arith.constant 2 : i32
      %parallel_loop3A_189 = arith.index_cast %parallel_loop3A_188 : i32 to index
      %parallel_loop3A_190 = arith.index_cast %parallel_loop3A_187 : i32 to index
      %parallel_loop3A_191 = tpu.vector_load %arg14[%parallel_loop3A_189, %parallel_loop3A_190] {strides = array<i32>} : memref<7x4096xf32, #tpu.memory_space<vmem>>, vector<16xf32>,
      tpu.vector_store %arg14[%parallel_loop3A_189, %parallel_loop3A_190], %parallel_loop3A_185 {strides = array<i32>} : memref<7x4096xf32, #tpu.memory_space<vmem>>, vector<16xf32>,
      %parallel_loop3A_192 = tpu.vector_load_idx %arg8[%parallel_loop3A_170] : memref<96xf32, #tpu.memory_space<vmem>>[vector<16xi32>], vector<16xf32>,
      %parallel_loop3A_193 = arith.constant 16 : i32
      %parallel_loop3A_194 = arith.muli %parallel_loop3A_164, %parallel_loop3A_193 : i32
      %parallel_loop3A_195 = arith.constant 3 : i32
      %parallel_loop3A_196 = arith.index_cast %parallel_loop3A_195 : i32 to index
      %parallel_loop3A_197 = arith.index_cast %parallel_loop3A_194 : i32 to index
      %parallel_loop3A_198 = tpu.vector_load %arg14[%parallel_loop3A_196, %parallel_loop3A_197] {strides = array<i32>} : memref<7x4096xf32, #tpu.memory_space<vmem>>, vector<16xf32>,
      tpu.vector_store %arg14[%parallel_loop3A_196, %parallel_loop3A_197], %parallel_loop3A_192 {strides = array<i32>} : memref<7x4096xf32, #tpu.memory_space<vmem>>, vector<16xf32>,
      %parallel_loop3A_199 = tpu.vector_load_idx %arg9[%parallel_loop3A_170] : memref<96xf32, #tpu.memory_space<vmem>>[vector<16xi32>], vector<16xf32>,
      %parallel_loop3A_200 = arith.constant 16 : i32
      %parallel_loop3A_201 = arith.muli %parallel_loop3A_164, %parallel_loop3A_200 : i32
      %parallel_loop3A_202 = arith.constant 4 : i32
      %parallel_loop3A_203 = arith.index_cast %parallel_loop3A_202 : i32 to index
      %parallel_loop3A_204 = arith.index_cast %parallel_loop3A_201 : i32 to index
      %parallel_loop3A_205 = tpu.vector_load %arg14[%parallel_loop3A_203, %parallel_loop3A_204] {strides = array<i32>} : memref<7x4096xf32, #tpu.memory_space<vmem>>, vector<16xf32>,
      tpu.vector_store %arg14[%parallel_loop3A_203, %parallel_loop3A_204], %parallel_loop3A_199 {strides = array<i32>} : memref<7x4096xf32, #tpu.memory_space<vmem>>, vector<16xf32>,
      %parallel_loop3A_206 = tpu.vector_load_idx %arg10[%parallel_loop3A_170] : memref<96xf32, #tpu.memory_space<vmem>>[vector<16xi32>], vector<16xf32>,
      %parallel_loop3A_207 = arith.constant 16 : i32
      %parallel_loop3A_208 = arith.muli %parallel_loop3A_164, %parallel_loop3A_207 : i32
      %parallel_loop3A_209 = arith.constant 5 : i32
      %parallel_loop3A_210 = arith.index_cast %parallel_loop3A_209 : i32 to index
      %parallel_loop3A_211 = arith.index_cast %parallel_loop3A_208 : i32 to index
      %parallel_loop3A_212 = tpu.vector_load %arg14[%parallel_loop3A_210, %parallel_loop3A_211] {strides = array<i32>} : memref<7x4096xf32, #tpu.memory_space<vmem>>, vector<16xf32>,
      tpu.vector_store %arg14[%parallel_loop3A_210, %parallel_loop3A_211], %parallel_loop3A_206 {strides = array<i32>} : memref<7x4096xf32, #tpu.memory_space<vmem>>, vector<16xf32>,
      %parallel_loop3A_213 = tpu.vector_load_idx %arg11[%parallel_loop3A_170] : memref<96xf32, #tpu.memory_space<vmem>>[vector<16xi32>], vector<16xf32>,
      %parallel_loop3A_214 = arith.constant 16 : i32
      %parallel_loop3A_215 = arith.muli %parallel_loop3A_164, %parallel_loop3A_214 : i32
      %parallel_loop3A_216 = arith.constant 6 : i32
      %parallel_loop3A_217 = arith.index_cast %parallel_loop3A_216 : i32 to index
      %parallel_loop3A_218 = arith.index_cast %parallel_loop3A_215 : i32 to index
      %parallel_loop3A_219 = tpu.vector_load %arg14[%parallel_loop3A_217, %parallel_loop3A_218] {strides = array<i32>} : memref<7x4096xf32, #tpu.memory_space<vmem>>, vector<16xf32>,
      tpu.vector_store %arg14[%parallel_loop3A_217, %parallel_loop3A_218], %parallel_loop3A_213 {strides = array<i32>} : memref<7x4096xf32, #tpu.memory_space<vmem>>, vector<16xf32>,
    } {sc.loop_unroll_factor = 1 : i64, sc.parallel_access}
    %add3A_98 = arith.constant 12288 : i32
    %add3A_99 = arith.addi %mul3A_2, %add3A_98 : i32
    %dma_start3A_100 = arith.constant 0 : i32
    %dma_start3A_101 = tpu.memref_slice %arg4[%dma_start3A_100, %add3A_99] : memref<7x1048576xf32, #tpu.memory_space<hbm>> -> memref<7x4096xf32, #tpu.memory_space<hbm>>
    %dma_start3A_102 = arith.constant 0 : i32
    %dma_start3A_103 = tpu.memref_slice %arg4[%dma_start3A_102, %add3A_99] : memref<7x1048576xf32, #tpu.memory_space<hbm>> -> memref<7x4096xf32, #tpu.memory_space<hbm>>
    tpu.enqueue_dma source(%arg14 : memref<7x4096xf32, #tpu.memory_space<vmem>>) target(%dma_start3A_103 : memref<7x4096xf32, #tpu.memory_space<hbm>>) target_semaphore(%arg16 : memref<!tpu.dma_semaphore, #tpu.memory_space<semaphore_mem>>)
    %dma_wait3A_104 = arith.constant 0 : i32
    %dma_wait3A_105 = tpu.memref_slice %arg4[%dma_wait3A_104, %add3A_86] : memref<7x1048576xf32, #tpu.memory_space<hbm>> -> memref<7x4096xf32, #tpu.memory_space<hbm>>
    %dma_wait3A_106 = arith.constant 0 : i32
    %dma_wait3A_107 = tpu.memref_slice %arg4[%dma_wait3A_106, %add3A_86] : memref<7x1048576xf32, #tpu.memory_space<hbm>> -> memref<7x4096xf32, #tpu.memory_space<hbm>>
    tpu.wait_dma2 semaphore(%arg15 : memref<!tpu.dma_semaphore, #tpu.memory_space<semaphore_mem>>) src(%arg13 : memref<7x4096xf32, #tpu.memory_space<vmem>>) dst(%dma_wait3A_107 : memref<7x4096xf32, #tpu.memory_space<hbm>>)
    %parallel_loop3A_108 = arith.constant 0 : i32
    %parallel_loop3A_109 = arith.constant 256 : i32
    %parallel_loop3A_110 = arith.constant 1 : i32
    scf.for %parallel_loop3A_164 = %parallel_loop3A_108 to %parallel_loop3A_109 step %parallel_loop3A_110  : i32 {
      %parallel_loop3A_165 = arith.constant 16 : i32
      %parallel_loop3A_166 = arith.muli %parallel_loop3A_164, %parallel_loop3A_165 : i32
      %parallel_loop3A_167 = arith.constant 16384 : i32
      %parallel_loop3A_168 = arith.addi %parallel_loop3A_167, %parallel_loop3A_166 : i32
      %parallel_loop3A_169 = arith.index_cast %parallel_loop3A_168 : i32 to index
      %parallel_loop3A_170 = tpu.vector_load %arg12[%parallel_loop3A_169] {strides = array<i32>} : memref<32768xi32, #tpu.memory_space<vmem>>, vector<16xi32>,
      %parallel_loop3A_171 = tpu.vector_load_idx %arg5[%parallel_loop3A_170] : memref<96xf32, #tpu.memory_space<vmem>>[vector<16xi32>], vector<16xf32>,
      %parallel_loop3A_172 = arith.constant 16 : i32
      %parallel_loop3A_173 = arith.muli %parallel_loop3A_164, %parallel_loop3A_172 : i32
      %parallel_loop3A_174 = arith.constant 0 : i32
      %parallel_loop3A_175 = arith.index_cast %parallel_loop3A_174 : i32 to index
      %parallel_loop3A_176 = arith.index_cast %parallel_loop3A_173 : i32 to index
      %parallel_loop3A_177 = tpu.vector_load %arg13[%parallel_loop3A_175, %parallel_loop3A_176] {strides = array<i32>} : memref<7x4096xf32, #tpu.memory_space<vmem>>, vector<16xf32>,
      tpu.vector_store %arg13[%parallel_loop3A_175, %parallel_loop3A_176], %parallel_loop3A_171 {strides = array<i32>} : memref<7x4096xf32, #tpu.memory_space<vmem>>, vector<16xf32>,
      %parallel_loop3A_178 = tpu.vector_load_idx %arg6[%parallel_loop3A_170] : memref<96xf32, #tpu.memory_space<vmem>>[vector<16xi32>], vector<16xf32>,
      %parallel_loop3A_179 = arith.constant 16 : i32
      %parallel_loop3A_180 = arith.muli %parallel_loop3A_164, %parallel_loop3A_179 : i32
      %parallel_loop3A_181 = arith.constant 1 : i32
      %parallel_loop3A_182 = arith.index_cast %parallel_loop3A_181 : i32 to index
      %parallel_loop3A_183 = arith.index_cast %parallel_loop3A_180 : i32 to index
      %parallel_loop3A_184 = tpu.vector_load %arg13[%parallel_loop3A_182, %parallel_loop3A_183] {strides = array<i32>} : memref<7x4096xf32, #tpu.memory_space<vmem>>, vector<16xf32>,
      tpu.vector_store %arg13[%parallel_loop3A_182, %parallel_loop3A_183], %parallel_loop3A_178 {strides = array<i32>} : memref<7x4096xf32, #tpu.memory_space<vmem>>, vector<16xf32>,
      %parallel_loop3A_185 = tpu.vector_load_idx %arg7[%parallel_loop3A_170] : memref<96xf32, #tpu.memory_space<vmem>>[vector<16xi32>], vector<16xf32>,
      %parallel_loop3A_186 = arith.constant 16 : i32
      %parallel_loop3A_187 = arith.muli %parallel_loop3A_164, %parallel_loop3A_186 : i32
      %parallel_loop3A_188 = arith.constant 2 : i32
      %parallel_loop3A_189 = arith.index_cast %parallel_loop3A_188 : i32 to index
      %parallel_loop3A_190 = arith.index_cast %parallel_loop3A_187 : i32 to index
      %parallel_loop3A_191 = tpu.vector_load %arg13[%parallel_loop3A_189, %parallel_loop3A_190] {strides = array<i32>} : memref<7x4096xf32, #tpu.memory_space<vmem>>, vector<16xf32>,
      tpu.vector_store %arg13[%parallel_loop3A_189, %parallel_loop3A_190], %parallel_loop3A_185 {strides = array<i32>} : memref<7x4096xf32, #tpu.memory_space<vmem>>, vector<16xf32>,
      %parallel_loop3A_192 = tpu.vector_load_idx %arg8[%parallel_loop3A_170] : memref<96xf32, #tpu.memory_space<vmem>>[vector<16xi32>], vector<16xf32>,
      %parallel_loop3A_193 = arith.constant 16 : i32
      %parallel_loop3A_194 = arith.muli %parallel_loop3A_164, %parallel_loop3A_193 : i32
      %parallel_loop3A_195 = arith.constant 3 : i32
      %parallel_loop3A_196 = arith.index_cast %parallel_loop3A_195 : i32 to index
      %parallel_loop3A_197 = arith.index_cast %parallel_loop3A_194 : i32 to index
      %parallel_loop3A_198 = tpu.vector_load %arg13[%parallel_loop3A_196, %parallel_loop3A_197] {strides = array<i32>} : memref<7x4096xf32, #tpu.memory_space<vmem>>, vector<16xf32>,
      tpu.vector_store %arg13[%parallel_loop3A_196, %parallel_loop3A_197], %parallel_loop3A_192 {strides = array<i32>} : memref<7x4096xf32, #tpu.memory_space<vmem>>, vector<16xf32>,
      %parallel_loop3A_199 = tpu.vector_load_idx %arg9[%parallel_loop3A_170] : memref<96xf32, #tpu.memory_space<vmem>>[vector<16xi32>], vector<16xf32>,
      %parallel_loop3A_200 = arith.constant 16 : i32
      %parallel_loop3A_201 = arith.muli %parallel_loop3A_164, %parallel_loop3A_200 : i32
      %parallel_loop3A_202 = arith.constant 4 : i32
      %parallel_loop3A_203 = arith.index_cast %parallel_loop3A_202 : i32 to index
      %parallel_loop3A_204 = arith.index_cast %parallel_loop3A_201 : i32 to index
      %parallel_loop3A_205 = tpu.vector_load %arg13[%parallel_loop3A_203, %parallel_loop3A_204] {strides = array<i32>} : memref<7x4096xf32, #tpu.memory_space<vmem>>, vector<16xf32>,
      tpu.vector_store %arg13[%parallel_loop3A_203, %parallel_loop3A_204], %parallel_loop3A_199 {strides = array<i32>} : memref<7x4096xf32, #tpu.memory_space<vmem>>, vector<16xf32>,
      %parallel_loop3A_206 = tpu.vector_load_idx %arg10[%parallel_loop3A_170] : memref<96xf32, #tpu.memory_space<vmem>>[vector<16xi32>], vector<16xf32>,
      %parallel_loop3A_207 = arith.constant 16 : i32
      %parallel_loop3A_208 = arith.muli %parallel_loop3A_164, %parallel_loop3A_207 : i32
      %parallel_loop3A_209 = arith.constant 5 : i32
      %parallel_loop3A_210 = arith.index_cast %parallel_loop3A_209 : i32 to index
      %parallel_loop3A_211 = arith.index_cast %parallel_loop3A_208 : i32 to index
      %parallel_loop3A_212 = tpu.vector_load %arg13[%parallel_loop3A_210, %parallel_loop3A_211] {strides = array<i32>} : memref<7x4096xf32, #tpu.memory_space<vmem>>, vector<16xf32>,
      tpu.vector_store %arg13[%parallel_loop3A_210, %parallel_loop3A_211], %parallel_loop3A_206 {strides = array<i32>} : memref<7x4096xf32, #tpu.memory_space<vmem>>, vector<16xf32>,
      %parallel_loop3A_213 = tpu.vector_load_idx %arg11[%parallel_loop3A_170] : memref<96xf32, #tpu.memory_space<vmem>>[vector<16xi32>], vector<16xf32>,
      %parallel_loop3A_214 = arith.constant 16 : i32
      %parallel_loop3A_215 = arith.muli %parallel_loop3A_164, %parallel_loop3A_214 : i32
      %parallel_loop3A_216 = arith.constant 6 : i32
      %parallel_loop3A_217 = arith.index_cast %parallel_loop3A_216 : i32 to index
      %parallel_loop3A_218 = arith.index_cast %parallel_loop3A_215 : i32 to index
      %parallel_loop3A_219 = tpu.vector_load %arg13[%parallel_loop3A_217, %parallel_loop3A_218] {strides = array<i32>} : memref<7x4096xf32, #tpu.memory_space<vmem>>, vector<16xf32>,
      tpu.vector_store %arg13[%parallel_loop3A_217, %parallel_loop3A_218], %parallel_loop3A_213 {strides = array<i32>} : memref<7x4096xf32, #tpu.memory_space<vmem>>, vector<16xf32>,
    } {sc.loop_unroll_factor = 1 : i64, sc.parallel_access}
    %add3A_111 = arith.constant 16384 : i32
    %add3A_112 = arith.addi %mul3A_2, %add3A_111 : i32
    %dma_start3A_113 = arith.constant 0 : i32
    %dma_start3A_114 = tpu.memref_slice %arg4[%dma_start3A_113, %add3A_112] : memref<7x1048576xf32, #tpu.memory_space<hbm>> -> memref<7x4096xf32, #tpu.memory_space<hbm>>
    %dma_start3A_115 = arith.constant 0 : i32
    %dma_start3A_116 = tpu.memref_slice %arg4[%dma_start3A_115, %add3A_112] : memref<7x1048576xf32, #tpu.memory_space<hbm>> -> memref<7x4096xf32, #tpu.memory_space<hbm>>
    tpu.enqueue_dma source(%arg13 : memref<7x4096xf32, #tpu.memory_space<vmem>>) target(%dma_start3A_116 : memref<7x4096xf32, #tpu.memory_space<hbm>>) target_semaphore(%arg15 : memref<!tpu.dma_semaphore, #tpu.memory_space<semaphore_mem>>)
    %dma_wait3A_117 = arith.constant 0 : i32
    %dma_wait3A_118 = tpu.memref_slice %arg4[%dma_wait3A_117, %add3A_99] : memref<7x1048576xf32, #tpu.memory_space<hbm>> -> memref<7x4096xf32, #tpu.memory_space<hbm>>
    %dma_wait3A_119 = arith.constant 0 : i32
    %dma_wait3A_120 = tpu.memref_slice %arg4[%dma_wait3A_119, %add3A_99] : memref<7x1048576xf32, #tpu.memory_space<hbm>> -> memref<7x4096xf32, #tpu.memory_space<hbm>>
    tpu.wait_dma2 semaphore(%arg16 : memref<!tpu.dma_semaphore, #tpu.memory_space<semaphore_mem>>) src(%arg14 : memref<7x4096xf32, #tpu.memory_space<vmem>>) dst(%dma_wait3A_120 : memref<7x4096xf32, #tpu.memory_space<hbm>>)
    %parallel_loop3A_121 = arith.constant 0 : i32
    %parallel_loop3A_122 = arith.constant 256 : i32
    %parallel_loop3A_123 = arith.constant 1 : i32
    scf.for %parallel_loop3A_164 = %parallel_loop3A_121 to %parallel_loop3A_122 step %parallel_loop3A_123  : i32 {
      %parallel_loop3A_165 = arith.constant 16 : i32
      %parallel_loop3A_166 = arith.muli %parallel_loop3A_164, %parallel_loop3A_165 : i32
      %parallel_loop3A_167 = arith.constant 20480 : i32
      %parallel_loop3A_168 = arith.addi %parallel_loop3A_167, %parallel_loop3A_166 : i32
      %parallel_loop3A_169 = arith.index_cast %parallel_loop3A_168 : i32 to index
      %parallel_loop3A_170 = tpu.vector_load %arg12[%parallel_loop3A_169] {strides = array<i32>} : memref<32768xi32, #tpu.memory_space<vmem>>, vector<16xi32>,
      %parallel_loop3A_171 = tpu.vector_load_idx %arg5[%parallel_loop3A_170] : memref<96xf32, #tpu.memory_space<vmem>>[vector<16xi32>], vector<16xf32>,
      %parallel_loop3A_172 = arith.constant 16 : i32
      %parallel_loop3A_173 = arith.muli %parallel_loop3A_164, %parallel_loop3A_172 : i32
      %parallel_loop3A_174 = arith.constant 0 : i32
      %parallel_loop3A_175 = arith.index_cast %parallel_loop3A_174 : i32 to index
      %parallel_loop3A_176 = arith.index_cast %parallel_loop3A_173 : i32 to index
      %parallel_loop3A_177 = tpu.vector_load %arg14[%parallel_loop3A_175, %parallel_loop3A_176] {strides = array<i32>} : memref<7x4096xf32, #tpu.memory_space<vmem>>, vector<16xf32>,
      tpu.vector_store %arg14[%parallel_loop3A_175, %parallel_loop3A_176], %parallel_loop3A_171 {strides = array<i32>} : memref<7x4096xf32, #tpu.memory_space<vmem>>, vector<16xf32>,
      %parallel_loop3A_178 = tpu.vector_load_idx %arg6[%parallel_loop3A_170] : memref<96xf32, #tpu.memory_space<vmem>>[vector<16xi32>], vector<16xf32>,
      %parallel_loop3A_179 = arith.constant 16 : i32
      %parallel_loop3A_180 = arith.muli %parallel_loop3A_164, %parallel_loop3A_179 : i32
      %parallel_loop3A_181 = arith.constant 1 : i32
      %parallel_loop3A_182 = arith.index_cast %parallel_loop3A_181 : i32 to index
      %parallel_loop3A_183 = arith.index_cast %parallel_loop3A_180 : i32 to index
      %parallel_loop3A_184 = tpu.vector_load %arg14[%parallel_loop3A_182, %parallel_loop3A_183] {strides = array<i32>} : memref<7x4096xf32, #tpu.memory_space<vmem>>, vector<16xf32>,
      tpu.vector_store %arg14[%parallel_loop3A_182, %parallel_loop3A_183], %parallel_loop3A_178 {strides = array<i32>} : memref<7x4096xf32, #tpu.memory_space<vmem>>, vector<16xf32>,
      %parallel_loop3A_185 = tpu.vector_load_idx %arg7[%parallel_loop3A_170] : memref<96xf32, #tpu.memory_space<vmem>>[vector<16xi32>], vector<16xf32>,
      %parallel_loop3A_186 = arith.constant 16 : i32
      %parallel_loop3A_187 = arith.muli %parallel_loop3A_164, %parallel_loop3A_186 : i32
      %parallel_loop3A_188 = arith.constant 2 : i32
      %parallel_loop3A_189 = arith.index_cast %parallel_loop3A_188 : i32 to index
      %parallel_loop3A_190 = arith.index_cast %parallel_loop3A_187 : i32 to index
      %parallel_loop3A_191 = tpu.vector_load %arg14[%parallel_loop3A_189, %parallel_loop3A_190] {strides = array<i32>} : memref<7x4096xf32, #tpu.memory_space<vmem>>, vector<16xf32>,
      tpu.vector_store %arg14[%parallel_loop3A_189, %parallel_loop3A_190], %parallel_loop3A_185 {strides = array<i32>} : memref<7x4096xf32, #tpu.memory_space<vmem>>, vector<16xf32>,
      %parallel_loop3A_192 = tpu.vector_load_idx %arg8[%parallel_loop3A_170] : memref<96xf32, #tpu.memory_space<vmem>>[vector<16xi32>], vector<16xf32>,
      %parallel_loop3A_193 = arith.constant 16 : i32
      %parallel_loop3A_194 = arith.muli %parallel_loop3A_164, %parallel_loop3A_193 : i32
      %parallel_loop3A_195 = arith.constant 3 : i32
      %parallel_loop3A_196 = arith.index_cast %parallel_loop3A_195 : i32 to index
      %parallel_loop3A_197 = arith.index_cast %parallel_loop3A_194 : i32 to index
      %parallel_loop3A_198 = tpu.vector_load %arg14[%parallel_loop3A_196, %parallel_loop3A_197] {strides = array<i32>} : memref<7x4096xf32, #tpu.memory_space<vmem>>, vector<16xf32>,
      tpu.vector_store %arg14[%parallel_loop3A_196, %parallel_loop3A_197], %parallel_loop3A_192 {strides = array<i32>} : memref<7x4096xf32, #tpu.memory_space<vmem>>, vector<16xf32>,
      %parallel_loop3A_199 = tpu.vector_load_idx %arg9[%parallel_loop3A_170] : memref<96xf32, #tpu.memory_space<vmem>>[vector<16xi32>], vector<16xf32>,
      %parallel_loop3A_200 = arith.constant 16 : i32
      %parallel_loop3A_201 = arith.muli %parallel_loop3A_164, %parallel_loop3A_200 : i32
      %parallel_loop3A_202 = arith.constant 4 : i32
      %parallel_loop3A_203 = arith.index_cast %parallel_loop3A_202 : i32 to index
      %parallel_loop3A_204 = arith.index_cast %parallel_loop3A_201 : i32 to index
      %parallel_loop3A_205 = tpu.vector_load %arg14[%parallel_loop3A_203, %parallel_loop3A_204] {strides = array<i32>} : memref<7x4096xf32, #tpu.memory_space<vmem>>, vector<16xf32>,
      tpu.vector_store %arg14[%parallel_loop3A_203, %parallel_loop3A_204], %parallel_loop3A_199 {strides = array<i32>} : memref<7x4096xf32, #tpu.memory_space<vmem>>, vector<16xf32>,
      %parallel_loop3A_206 = tpu.vector_load_idx %arg10[%parallel_loop3A_170] : memref<96xf32, #tpu.memory_space<vmem>>[vector<16xi32>], vector<16xf32>,
      %parallel_loop3A_207 = arith.constant 16 : i32
      %parallel_loop3A_208 = arith.muli %parallel_loop3A_164, %parallel_loop3A_207 : i32
      %parallel_loop3A_209 = arith.constant 5 : i32
      %parallel_loop3A_210 = arith.index_cast %parallel_loop3A_209 : i32 to index
      %parallel_loop3A_211 = arith.index_cast %parallel_loop3A_208 : i32 to index
      %parallel_loop3A_212 = tpu.vector_load %arg14[%parallel_loop3A_210, %parallel_loop3A_211] {strides = array<i32>} : memref<7x4096xf32, #tpu.memory_space<vmem>>, vector<16xf32>,
      tpu.vector_store %arg14[%parallel_loop3A_210, %parallel_loop3A_211], %parallel_loop3A_206 {strides = array<i32>} : memref<7x4096xf32, #tpu.memory_space<vmem>>, vector<16xf32>,
      %parallel_loop3A_213 = tpu.vector_load_idx %arg11[%parallel_loop3A_170] : memref<96xf32, #tpu.memory_space<vmem>>[vector<16xi32>], vector<16xf32>,
      %parallel_loop3A_214 = arith.constant 16 : i32
      %parallel_loop3A_215 = arith.muli %parallel_loop3A_164, %parallel_loop3A_214 : i32
      %parallel_loop3A_216 = arith.constant 6 : i32
      %parallel_loop3A_217 = arith.index_cast %parallel_loop3A_216 : i32 to index
      %parallel_loop3A_218 = arith.index_cast %parallel_loop3A_215 : i32 to index
      %parallel_loop3A_219 = tpu.vector_load %arg14[%parallel_loop3A_217, %parallel_loop3A_218] {strides = array<i32>} : memref<7x4096xf32, #tpu.memory_space<vmem>>, vector<16xf32>,
      tpu.vector_store %arg14[%parallel_loop3A_217, %parallel_loop3A_218], %parallel_loop3A_213 {strides = array<i32>} : memref<7x4096xf32, #tpu.memory_space<vmem>>, vector<16xf32>,
    } {sc.loop_unroll_factor = 1 : i64, sc.parallel_access}
    %add3A_124 = arith.constant 20480 : i32
    %add3A_125 = arith.addi %mul3A_2, %add3A_124 : i32
    %dma_start3A_126 = arith.constant 0 : i32
    %dma_start3A_127 = tpu.memref_slice %arg4[%dma_start3A_126, %add3A_125] : memref<7x1048576xf32, #tpu.memory_space<hbm>> -> memref<7x4096xf32, #tpu.memory_space<hbm>>
    %dma_start3A_128 = arith.constant 0 : i32
    %dma_start3A_129 = tpu.memref_slice %arg4[%dma_start3A_128, %add3A_125] : memref<7x1048576xf32, #tpu.memory_space<hbm>> -> memref<7x4096xf32, #tpu.memory_space<hbm>>
    tpu.enqueue_dma source(%arg14 : memref<7x4096xf32, #tpu.memory_space<vmem>>) target(%dma_start3A_129 : memref<7x4096xf32, #tpu.memory_space<hbm>>) target_semaphore(%arg16 : memref<!tpu.dma_semaphore, #tpu.memory_space<semaphore_mem>>)
    %dma_wait3A_130 = arith.constant 0 : i32
    %dma_wait3A_131 = tpu.memref_slice %arg4[%dma_wait3A_130, %add3A_112] : memref<7x1048576xf32, #tpu.memory_space<hbm>> -> memref<7x4096xf32, #tpu.memory_space<hbm>>
    %dma_wait3A_132 = arith.constant 0 : i32
    %dma_wait3A_133 = tpu.memref_slice %arg4[%dma_wait3A_132, %add3A_112] : memref<7x1048576xf32, #tpu.memory_space<hbm>> -> memref<7x4096xf32, #tpu.memory_space<hbm>>
    tpu.wait_dma2 semaphore(%arg15 : memref<!tpu.dma_semaphore, #tpu.memory_space<semaphore_mem>>) src(%arg13 : memref<7x4096xf32, #tpu.memory_space<vmem>>) dst(%dma_wait3A_133 : memref<7x4096xf32, #tpu.memory_space<hbm>>)
    %parallel_loop3A_134 = arith.constant 0 : i32
    %parallel_loop3A_135 = arith.constant 256 : i32
    %parallel_loop3A_136 = arith.constant 1 : i32
    scf.for %parallel_loop3A_164 = %parallel_loop3A_134 to %parallel_loop3A_135 step %parallel_loop3A_136  : i32 {
      %parallel_loop3A_165 = arith.constant 16 : i32
      %parallel_loop3A_166 = arith.muli %parallel_loop3A_164, %parallel_loop3A_165 : i32
      %parallel_loop3A_167 = arith.constant 24576 : i32
      %parallel_loop3A_168 = arith.addi %parallel_loop3A_167, %parallel_loop3A_166 : i32
      %parallel_loop3A_169 = arith.index_cast %parallel_loop3A_168 : i32 to index
      %parallel_loop3A_170 = tpu.vector_load %arg12[%parallel_loop3A_169] {strides = array<i32>} : memref<32768xi32, #tpu.memory_space<vmem>>, vector<16xi32>,
      %parallel_loop3A_171 = tpu.vector_load_idx %arg5[%parallel_loop3A_170] : memref<96xf32, #tpu.memory_space<vmem>>[vector<16xi32>], vector<16xf32>,
      %parallel_loop3A_172 = arith.constant 16 : i32
      %parallel_loop3A_173 = arith.muli %parallel_loop3A_164, %parallel_loop3A_172 : i32
      %parallel_loop3A_174 = arith.constant 0 : i32
      %parallel_loop3A_175 = arith.index_cast %parallel_loop3A_174 : i32 to index
      %parallel_loop3A_176 = arith.index_cast %parallel_loop3A_173 : i32 to index
      %parallel_loop3A_177 = tpu.vector_load %arg13[%parallel_loop3A_175, %parallel_loop3A_176] {strides = array<i32>} : memref<7x4096xf32, #tpu.memory_space<vmem>>, vector<16xf32>,
      tpu.vector_store %arg13[%parallel_loop3A_175, %parallel_loop3A_176], %parallel_loop3A_171 {strides = array<i32>} : memref<7x4096xf32, #tpu.memory_space<vmem>>, vector<16xf32>,
      %parallel_loop3A_178 = tpu.vector_load_idx %arg6[%parallel_loop3A_170] : memref<96xf32, #tpu.memory_space<vmem>>[vector<16xi32>], vector<16xf32>,
      %parallel_loop3A_179 = arith.constant 16 : i32
      %parallel_loop3A_180 = arith.muli %parallel_loop3A_164, %parallel_loop3A_179 : i32
      %parallel_loop3A_181 = arith.constant 1 : i32
      %parallel_loop3A_182 = arith.index_cast %parallel_loop3A_181 : i32 to index
      %parallel_loop3A_183 = arith.index_cast %parallel_loop3A_180 : i32 to index
      %parallel_loop3A_184 = tpu.vector_load %arg13[%parallel_loop3A_182, %parallel_loop3A_183] {strides = array<i32>} : memref<7x4096xf32, #tpu.memory_space<vmem>>, vector<16xf32>,
      tpu.vector_store %arg13[%parallel_loop3A_182, %parallel_loop3A_183], %parallel_loop3A_178 {strides = array<i32>} : memref<7x4096xf32, #tpu.memory_space<vmem>>, vector<16xf32>,
      %parallel_loop3A_185 = tpu.vector_load_idx %arg7[%parallel_loop3A_170] : memref<96xf32, #tpu.memory_space<vmem>>[vector<16xi32>], vector<16xf32>,
      %parallel_loop3A_186 = arith.constant 16 : i32
      %parallel_loop3A_187 = arith.muli %parallel_loop3A_164, %parallel_loop3A_186 : i32
      %parallel_loop3A_188 = arith.constant 2 : i32
      %parallel_loop3A_189 = arith.index_cast %parallel_loop3A_188 : i32 to index
      %parallel_loop3A_190 = arith.index_cast %parallel_loop3A_187 : i32 to index
      %parallel_loop3A_191 = tpu.vector_load %arg13[%parallel_loop3A_189, %parallel_loop3A_190] {strides = array<i32>} : memref<7x4096xf32, #tpu.memory_space<vmem>>, vector<16xf32>,
      tpu.vector_store %arg13[%parallel_loop3A_189, %parallel_loop3A_190], %parallel_loop3A_185 {strides = array<i32>} : memref<7x4096xf32, #tpu.memory_space<vmem>>, vector<16xf32>,
      %parallel_loop3A_192 = tpu.vector_load_idx %arg8[%parallel_loop3A_170] : memref<96xf32, #tpu.memory_space<vmem>>[vector<16xi32>], vector<16xf32>,
      %parallel_loop3A_193 = arith.constant 16 : i32
      %parallel_loop3A_194 = arith.muli %parallel_loop3A_164, %parallel_loop3A_193 : i32
      %parallel_loop3A_195 = arith.constant 3 : i32
      %parallel_loop3A_196 = arith.index_cast %parallel_loop3A_195 : i32 to index
      %parallel_loop3A_197 = arith.index_cast %parallel_loop3A_194 : i32 to index
      %parallel_loop3A_198 = tpu.vector_load %arg13[%parallel_loop3A_196, %parallel_loop3A_197] {strides = array<i32>} : memref<7x4096xf32, #tpu.memory_space<vmem>>, vector<16xf32>,
      tpu.vector_store %arg13[%parallel_loop3A_196, %parallel_loop3A_197], %parallel_loop3A_192 {strides = array<i32>} : memref<7x4096xf32, #tpu.memory_space<vmem>>, vector<16xf32>,
      %parallel_loop3A_199 = tpu.vector_load_idx %arg9[%parallel_loop3A_170] : memref<96xf32, #tpu.memory_space<vmem>>[vector<16xi32>], vector<16xf32>,
      %parallel_loop3A_200 = arith.constant 16 : i32
      %parallel_loop3A_201 = arith.muli %parallel_loop3A_164, %parallel_loop3A_200 : i32
      %parallel_loop3A_202 = arith.constant 4 : i32
      %parallel_loop3A_203 = arith.index_cast %parallel_loop3A_202 : i32 to index
      %parallel_loop3A_204 = arith.index_cast %parallel_loop3A_201 : i32 to index
      %parallel_loop3A_205 = tpu.vector_load %arg13[%parallel_loop3A_203, %parallel_loop3A_204] {strides = array<i32>} : memref<7x4096xf32, #tpu.memory_space<vmem>>, vector<16xf32>,
      tpu.vector_store %arg13[%parallel_loop3A_203, %parallel_loop3A_204], %parallel_loop3A_199 {strides = array<i32>} : memref<7x4096xf32, #tpu.memory_space<vmem>>, vector<16xf32>,
      %parallel_loop3A_206 = tpu.vector_load_idx %arg10[%parallel_loop3A_170] : memref<96xf32, #tpu.memory_space<vmem>>[vector<16xi32>], vector<16xf32>,
      %parallel_loop3A_207 = arith.constant 16 : i32
      %parallel_loop3A_208 = arith.muli %parallel_loop3A_164, %parallel_loop3A_207 : i32
      %parallel_loop3A_209 = arith.constant 5 : i32
      %parallel_loop3A_210 = arith.index_cast %parallel_loop3A_209 : i32 to index
      %parallel_loop3A_211 = arith.index_cast %parallel_loop3A_208 : i32 to index
      %parallel_loop3A_212 = tpu.vector_load %arg13[%parallel_loop3A_210, %parallel_loop3A_211] {strides = array<i32>} : memref<7x4096xf32, #tpu.memory_space<vmem>>, vector<16xf32>,
      tpu.vector_store %arg13[%parallel_loop3A_210, %parallel_loop3A_211], %parallel_loop3A_206 {strides = array<i32>} : memref<7x4096xf32, #tpu.memory_space<vmem>>, vector<16xf32>,
      %parallel_loop3A_213 = tpu.vector_load_idx %arg11[%parallel_loop3A_170] : memref<96xf32, #tpu.memory_space<vmem>>[vector<16xi32>], vector<16xf32>,
      %parallel_loop3A_214 = arith.constant 16 : i32
      %parallel_loop3A_215 = arith.muli %parallel_loop3A_164, %parallel_loop3A_214 : i32
      %parallel_loop3A_216 = arith.constant 6 : i32
      %parallel_loop3A_217 = arith.index_cast %parallel_loop3A_216 : i32 to index
      %parallel_loop3A_218 = arith.index_cast %parallel_loop3A_215 : i32 to index
      %parallel_loop3A_219 = tpu.vector_load %arg13[%parallel_loop3A_217, %parallel_loop3A_218] {strides = array<i32>} : memref<7x4096xf32, #tpu.memory_space<vmem>>, vector<16xf32>,
      tpu.vector_store %arg13[%parallel_loop3A_217, %parallel_loop3A_218], %parallel_loop3A_213 {strides = array<i32>} : memref<7x4096xf32, #tpu.memory_space<vmem>>, vector<16xf32>,
    } {sc.loop_unroll_factor = 1 : i64, sc.parallel_access}
    %add3A_137 = arith.constant 24576 : i32
    %add3A_138 = arith.addi %mul3A_2, %add3A_137 : i32
    %dma_start3A_139 = arith.constant 0 : i32
    %dma_start3A_140 = tpu.memref_slice %arg4[%dma_start3A_139, %add3A_138] : memref<7x1048576xf32, #tpu.memory_space<hbm>> -> memref<7x4096xf32, #tpu.memory_space<hbm>>
    %dma_start3A_141 = arith.constant 0 : i32
    %dma_start3A_142 = tpu.memref_slice %arg4[%dma_start3A_141, %add3A_138] : memref<7x1048576xf32, #tpu.memory_space<hbm>> -> memref<7x4096xf32, #tpu.memory_space<hbm>>
    tpu.enqueue_dma source(%arg13 : memref<7x4096xf32, #tpu.memory_space<vmem>>) target(%dma_start3A_142 : memref<7x4096xf32, #tpu.memory_space<hbm>>) target_semaphore(%arg15 : memref<!tpu.dma_semaphore, #tpu.memory_space<semaphore_mem>>)
    %dma_wait3A_143 = arith.constant 0 : i32
    %dma_wait3A_144 = tpu.memref_slice %arg4[%dma_wait3A_143, %add3A_125] : memref<7x1048576xf32, #tpu.memory_space<hbm>> -> memref<7x4096xf32, #tpu.memory_space<hbm>>
    %dma_wait3A_145 = arith.constant 0 : i32
    %dma_wait3A_146 = tpu.memref_slice %arg4[%dma_wait3A_145, %add3A_125] : memref<7x1048576xf32, #tpu.memory_space<hbm>> -> memref<7x4096xf32, #tpu.memory_space<hbm>>
    tpu.wait_dma2 semaphore(%arg16 : memref<!tpu.dma_semaphore, #tpu.memory_space<semaphore_mem>>) src(%arg14 : memref<7x4096xf32, #tpu.memory_space<vmem>>) dst(%dma_wait3A_146 : memref<7x4096xf32, #tpu.memory_space<hbm>>)
    %parallel_loop3A_147 = arith.constant 0 : i32
    %parallel_loop3A_148 = arith.constant 256 : i32
    %parallel_loop3A_149 = arith.constant 1 : i32
    scf.for %parallel_loop3A_164 = %parallel_loop3A_147 to %parallel_loop3A_148 step %parallel_loop3A_149  : i32 {
      %parallel_loop3A_165 = arith.constant 16 : i32
      %parallel_loop3A_166 = arith.muli %parallel_loop3A_164, %parallel_loop3A_165 : i32
      %parallel_loop3A_167 = arith.constant 28672 : i32
      %parallel_loop3A_168 = arith.addi %parallel_loop3A_167, %parallel_loop3A_166 : i32
      %parallel_loop3A_169 = arith.index_cast %parallel_loop3A_168 : i32 to index
      %parallel_loop3A_170 = tpu.vector_load %arg12[%parallel_loop3A_169] {strides = array<i32>} : memref<32768xi32, #tpu.memory_space<vmem>>, vector<16xi32>,
      %parallel_loop3A_171 = tpu.vector_load_idx %arg5[%parallel_loop3A_170] : memref<96xf32, #tpu.memory_space<vmem>>[vector<16xi32>], vector<16xf32>,
      %parallel_loop3A_172 = arith.constant 16 : i32
      %parallel_loop3A_173 = arith.muli %parallel_loop3A_164, %parallel_loop3A_172 : i32
      %parallel_loop3A_174 = arith.constant 0 : i32
      %parallel_loop3A_175 = arith.index_cast %parallel_loop3A_174 : i32 to index
      %parallel_loop3A_176 = arith.index_cast %parallel_loop3A_173 : i32 to index
      %parallel_loop3A_177 = tpu.vector_load %arg14[%parallel_loop3A_175, %parallel_loop3A_176] {strides = array<i32>} : memref<7x4096xf32, #tpu.memory_space<vmem>>, vector<16xf32>,
      tpu.vector_store %arg14[%parallel_loop3A_175, %parallel_loop3A_176], %parallel_loop3A_171 {strides = array<i32>} : memref<7x4096xf32, #tpu.memory_space<vmem>>, vector<16xf32>,
      %parallel_loop3A_178 = tpu.vector_load_idx %arg6[%parallel_loop3A_170] : memref<96xf32, #tpu.memory_space<vmem>>[vector<16xi32>], vector<16xf32>,
      %parallel_loop3A_179 = arith.constant 16 : i32
      %parallel_loop3A_180 = arith.muli %parallel_loop3A_164, %parallel_loop3A_179 : i32
      %parallel_loop3A_181 = arith.constant 1 : i32
      %parallel_loop3A_182 = arith.index_cast %parallel_loop3A_181 : i32 to index
      %parallel_loop3A_183 = arith.index_cast %parallel_loop3A_180 : i32 to index
      %parallel_loop3A_184 = tpu.vector_load %arg14[%parallel_loop3A_182, %parallel_loop3A_183] {strides = array<i32>} : memref<7x4096xf32, #tpu.memory_space<vmem>>, vector<16xf32>,
      tpu.vector_store %arg14[%parallel_loop3A_182, %parallel_loop3A_183], %parallel_loop3A_178 {strides = array<i32>} : memref<7x4096xf32, #tpu.memory_space<vmem>>, vector<16xf32>,
      %parallel_loop3A_185 = tpu.vector_load_idx %arg7[%parallel_loop3A_170] : memref<96xf32, #tpu.memory_space<vmem>>[vector<16xi32>], vector<16xf32>,
      %parallel_loop3A_186 = arith.constant 16 : i32
      %parallel_loop3A_187 = arith.muli %parallel_loop3A_164, %parallel_loop3A_186 : i32
      %parallel_loop3A_188 = arith.constant 2 : i32
      %parallel_loop3A_189 = arith.index_cast %parallel_loop3A_188 : i32 to index
      %parallel_loop3A_190 = arith.index_cast %parallel_loop3A_187 : i32 to index
      %parallel_loop3A_191 = tpu.vector_load %arg14[%parallel_loop3A_189, %parallel_loop3A_190] {strides = array<i32>} : memref<7x4096xf32, #tpu.memory_space<vmem>>, vector<16xf32>,
      tpu.vector_store %arg14[%parallel_loop3A_189, %parallel_loop3A_190], %parallel_loop3A_185 {strides = array<i32>} : memref<7x4096xf32, #tpu.memory_space<vmem>>, vector<16xf32>,
      %parallel_loop3A_192 = tpu.vector_load_idx %arg8[%parallel_loop3A_170] : memref<96xf32, #tpu.memory_space<vmem>>[vector<16xi32>], vector<16xf32>,
      %parallel_loop3A_193 = arith.constant 16 : i32
      %parallel_loop3A_194 = arith.muli %parallel_loop3A_164, %parallel_loop3A_193 : i32
      %parallel_loop3A_195 = arith.constant 3 : i32
      %parallel_loop3A_196 = arith.index_cast %parallel_loop3A_195 : i32 to index
      %parallel_loop3A_197 = arith.index_cast %parallel_loop3A_194 : i32 to index
      %parallel_loop3A_198 = tpu.vector_load %arg14[%parallel_loop3A_196, %parallel_loop3A_197] {strides = array<i32>} : memref<7x4096xf32, #tpu.memory_space<vmem>>, vector<16xf32>,
      tpu.vector_store %arg14[%parallel_loop3A_196, %parallel_loop3A_197], %parallel_loop3A_192 {strides = array<i32>} : memref<7x4096xf32, #tpu.memory_space<vmem>>, vector<16xf32>,
      %parallel_loop3A_199 = tpu.vector_load_idx %arg9[%parallel_loop3A_170] : memref<96xf32, #tpu.memory_space<vmem>>[vector<16xi32>], vector<16xf32>,
      %parallel_loop3A_200 = arith.constant 16 : i32
      %parallel_loop3A_201 = arith.muli %parallel_loop3A_164, %parallel_loop3A_200 : i32
      %parallel_loop3A_202 = arith.constant 4 : i32
      %parallel_loop3A_203 = arith.index_cast %parallel_loop3A_202 : i32 to index
      %parallel_loop3A_204 = arith.index_cast %parallel_loop3A_201 : i32 to index
      %parallel_loop3A_205 = tpu.vector_load %arg14[%parallel_loop3A_203, %parallel_loop3A_204] {strides = array<i32>} : memref<7x4096xf32, #tpu.memory_space<vmem>>, vector<16xf32>,
      tpu.vector_store %arg14[%parallel_loop3A_203, %parallel_loop3A_204], %parallel_loop3A_199 {strides = array<i32>} : memref<7x4096xf32, #tpu.memory_space<vmem>>, vector<16xf32>,
      %parallel_loop3A_206 = tpu.vector_load_idx %arg10[%parallel_loop3A_170] : memref<96xf32, #tpu.memory_space<vmem>>[vector<16xi32>], vector<16xf32>,
      %parallel_loop3A_207 = arith.constant 16 : i32
      %parallel_loop3A_208 = arith.muli %parallel_loop3A_164, %parallel_loop3A_207 : i32
      %parallel_loop3A_209 = arith.constant 5 : i32
      %parallel_loop3A_210 = arith.index_cast %parallel_loop3A_209 : i32 to index
      %parallel_loop3A_211 = arith.index_cast %parallel_loop3A_208 : i32 to index
      %parallel_loop3A_212 = tpu.vector_load %arg14[%parallel_loop3A_210, %parallel_loop3A_211] {strides = array<i32>} : memref<7x4096xf32, #tpu.memory_space<vmem>>, vector<16xf32>,
      tpu.vector_store %arg14[%parallel_loop3A_210, %parallel_loop3A_211], %parallel_loop3A_206 {strides = array<i32>} : memref<7x4096xf32, #tpu.memory_space<vmem>>, vector<16xf32>,
      %parallel_loop3A_213 = tpu.vector_load_idx %arg11[%parallel_loop3A_170] : memref<96xf32, #tpu.memory_space<vmem>>[vector<16xi32>], vector<16xf32>,
      %parallel_loop3A_214 = arith.constant 16 : i32
      %parallel_loop3A_215 = arith.muli %parallel_loop3A_164, %parallel_loop3A_214 : i32
      %parallel_loop3A_216 = arith.constant 6 : i32
      %parallel_loop3A_217 = arith.index_cast %parallel_loop3A_216 : i32 to index
      %parallel_loop3A_218 = arith.index_cast %parallel_loop3A_215 : i32 to index
      %parallel_loop3A_219 = tpu.vector_load %arg14[%parallel_loop3A_217, %parallel_loop3A_218] {strides = array<i32>} : memref<7x4096xf32, #tpu.memory_space<vmem>>, vector<16xf32>,
      tpu.vector_store %arg14[%parallel_loop3A_217, %parallel_loop3A_218], %parallel_loop3A_213 {strides = array<i32>} : memref<7x4096xf32, #tpu.memory_space<vmem>>, vector<16xf32>,
    } {sc.loop_unroll_factor = 1 : i64, sc.parallel_access}
    %add3A_150 = arith.constant 28672 : i32
    %add3A_151 = arith.addi %mul3A_2, %add3A_150 : i32
    %dma_start3A_152 = arith.constant 0 : i32
    %dma_start3A_153 = tpu.memref_slice %arg4[%dma_start3A_152, %add3A_151] : memref<7x1048576xf32, #tpu.memory_space<hbm>> -> memref<7x4096xf32, #tpu.memory_space<hbm>>
    %dma_start3A_154 = arith.constant 0 : i32
    %dma_start3A_155 = tpu.memref_slice %arg4[%dma_start3A_154, %add3A_151] : memref<7x1048576xf32, #tpu.memory_space<hbm>> -> memref<7x4096xf32, #tpu.memory_space<hbm>>
    tpu.enqueue_dma source(%arg14 : memref<7x4096xf32, #tpu.memory_space<vmem>>) target(%dma_start3A_155 : memref<7x4096xf32, #tpu.memory_space<hbm>>) target_semaphore(%arg16 : memref<!tpu.dma_semaphore, #tpu.memory_space<semaphore_mem>>)
    %dma_wait3A_156 = arith.constant 0 : i32
    %dma_wait3A_157 = tpu.memref_slice %arg4[%dma_wait3A_156, %add3A_138] : memref<7x1048576xf32, #tpu.memory_space<hbm>> -> memref<7x4096xf32, #tpu.memory_space<hbm>>
    %dma_wait3A_158 = arith.constant 0 : i32
    %dma_wait3A_159 = tpu.memref_slice %arg4[%dma_wait3A_158, %add3A_138] : memref<7x1048576xf32, #tpu.memory_space<hbm>> -> memref<7x4096xf32, #tpu.memory_space<hbm>>
    tpu.wait_dma2 semaphore(%arg15 : memref<!tpu.dma_semaphore, #tpu.memory_space<semaphore_mem>>) src(%arg13 : memref<7x4096xf32, #tpu.memory_space<vmem>>) dst(%dma_wait3A_159 : memref<7x4096xf32, #tpu.memory_space<hbm>>)
    %dma_wait3A_160 = arith.constant 0 : i32
    %dma_wait3A_161 = tpu.memref_slice %arg4[%dma_wait3A_160, %add3A_151] : memref<7x1048576xf32, #tpu.memory_space<hbm>> -> memref<7x4096xf32, #tpu.memory_space<hbm>>
    %dma_wait3A_162 = arith.constant 0 : i32
    %dma_wait3A_163 = tpu.memref_slice %arg4[%dma_wait3A_162, %add3A_151] : memref<7x1048576xf32, #tpu.memory_space<hbm>> -> memref<7x4096xf32, #tpu.memory_space<hbm>>
    tpu.wait_dma2 semaphore(%arg16 : memref<!tpu.dma_semaphore, #tpu.memory_space<semaphore_mem>>) src(%arg14 : memref<7x4096xf32, #tpu.memory_space<vmem>>) dst(%dma_wait3A_163 : memref<7x4096xf32, #tpu.memory_space<hbm>>)
    return
  }
}

</mosaic_0001>

<sc_bundles>
// kernel: kernel.3.cloned.1.call-start
scs
__scs_entry_jumppad:
0x0: {  	(pc) =	sbr.rel $0x88, $3  }
0x1: {  	(tag) =	ssettag $0x0;
	lr =	simm.s32 $0x1  }
0x2: {  	[smem:$0x3F9F] =	sst lr;
	_ =	strace $0xD0000000  }
0x3: {  	_ = 	snop  }
0x4: {  	_ = 	snop  }
0x5: {  	_ = 	snop  }
0x6: {  	_ = 	snop  }
0x7: {  	_ = 	snop  }
__scs_overlays_trampoline_lowered:
0x8: {  	[smem:$0x3FAE] =	sst s0  }
0x9: {  	[smem:$0x3FAF] =	sst s1  }
0xa: {  	[smem:$0x3FB0] =	sst s2  }
0xb: {  	[smem:$0x3FB1] =	sst s3  }
0xc: {  	[smem:$0x3FB2] =	sst s4  }
0xd: {  	[smem:$0x3FB3] =	sst s5  }
0xe: {  	[smem:$0x3FB4] =	sst s6  }
0xf: {  	[smem:$0x3FB5] =	sst s7  }
0x10: {  	[smem:$0x3FB6] =	sst s8  }
0x11: {  	[smem:$0x3FB7] =	sst s9;
	s0 =	simm.s32 @!p0 $0x0  }
0x12: {  	s1 =	sld [smem:$0x3F9D];
	s0 =	simm.s32 @p0 $0x1  }
0x13: {  	[smem:$0x3FB8] =	sst s0;
	s0 =	simm.s32 @!p1 $0x0  }
0x14: {  	s2 =	sld [smem:$0x3F9C];
	s0 =	simm.s32 @p1 $0x1  }
0x15: {  	[smem:$0x3FB9] =	sst s0;
	s0 =	simm.s32 @!p2 $0x0  }
0x16: {  	s3 =	sld [smem:$0x3FDB];
	s0 =	simm.s32 @p2 $0x1  }
0x17: {  	s4 =	simm.s32 $0x1BF5;
	[smem:$0x3FBB] =	sst s0  }
0x18: {  	s0 =	sld [smem:$0x3F9E];
	_ =	swait.ge [sflag:s4], $0x0  }
0x19: {  	s7 =	sld [smem:$0x3F9F]  }
0x1a: {  	s8 =	sadd.s32 $0xFFFFE003, lr  }
0x1b: {  	s9 =	sadd.s32 $0xFFFFFEF7, lr;
	s5 =	simm.s32 $0xFFFFFFFF;
	p2 =	slt.u32 s8, $0xFFFFF086  }
0x1c: {  	p1 =	slt.u32 s9, $0xF7A;
	s5 =	simm.s32 @!p2 $0x0  }
0x1d: {  	s5 =	simm.s32 @p1 $0x1;
	p0 =	seq.s32 s7, s2  }
0x1e: {  	s7 =	smul.u32 @!p0 $0xF7A, s2;
	p2 =	seq.s32 @!p0 s5, $0x0  }
0x1f: {  	s9 =	smul.u32 $0xF7A, s1;
	s8 =	simm.s32 @!p0 $0x1BF5;
	p2 =	por !p2, p0  }
0x20: {  	[sflag:s8] =	ssyncset.s32 @!p0 $0xFFFFF086;
	s6 =	sadd.s32 @!p0 s3, s7;
	s7 =	simm.s32 @!p0 $0x108  }
0x21: {  	s3 =	sadd.s32 s3, s9;
	s6 =	sadd.s32 @!p0 $0x88, s6;
	s7 =	simm.s32 @p2 $0x1082  }
0x22: {  	[simem:s7], [sflag:s8] =	dma.local @!p0 [hbm:s6], $0xF7A  }
0x23: {  	s9 =	sor.u32 $0xD0000000, s2;
	s6 =	simm.s32 $0x108;
	_ =	swait.ge @!p0 [sflag:s8], $0x0  }
0x24: {  	s3 =	sadd.s32 $0x88, s3;
	s6 =	simm.s32 @!p1 $0x1082;
	[sflag:s4] =	ssyncset.s32 $0xFFFFF086  }
0x25: {  	[simem:s6], [sflag:s4] =	dma.local [hbm:s3], $0xF7A  }
0x26: {  	[smem:$0x3F9F] =	sst s1;
	(tag) =	ssettag s2;
	_ =	strace s9  }
0x27: {  	s1 =	sld [smem:$0x3FAF]  }
0x28: {  	s2 =	sld [smem:$0x3FB0]  }
0x29: {  	s4 =	sld [smem:$0x3FB2]  }
0x2a: {  	p0 =	seq.s32 s5, $0x0;
	s5 =	sld [smem:$0x3FB3]  }
0x2b: {  	s6 =	sld [smem:$0x3FB4]  }
0x2c: {  	s7 =	sld [smem:$0x3FB5]  }
0x2d: {  	s3 =	simm.s32 $0x108;
	s8 =	sld [smem:$0x3FB6]  }
0x2e: {  	s3 =	simm.s32 @!p0 $0x1082;
	s9 =	sld [smem:$0x3FB7]  }
0x2f: {  	lr =	sadd.s32 s0, s3;
	s0 =	sld [smem:$0x3FAE]  }
0x30: {  	s3 =	sld [smem:$0x3FB1]  }
0x31: {  	[smem:$0x3FBA] =	sst s10  }
0x32: {  	s10 =	sld [smem:$0x3FB8];
	_ =	sdelay $0x3  }
0x33: {  	p0 =	seq.s32 s10, $0x1;
	s10 =	sld [smem:$0x3FBA];
	_ =	sdelay $0x3  }
0x34: {  	[smem:$0x3FBA] =	sst s10  }
0x35: {  	s10 =	sld [smem:$0x3FB9];
	_ =	sdelay $0x3  }
0x36: {  	p1 =	seq.s32 s10, $0x1;
	s10 =	sld [smem:$0x3FBA];
	_ =	sdelay $0x3  }
0x37: {  	[smem:$0x3FBA] =	sst s10  }
0x38: {  	s10 =	sld [smem:$0x3FBB]  }
0x39: {  	_ = 	snop;
	(pc) =	sbr.ind lr, $3  }
0x3a: {  	_ = 	snop  }
0x3b: {  	_ = 	snop  }
0x3c: {  	p2 =	seq.s32 s10, $0x1;
	s10 =	sld [smem:$0x3FBA]  }
0x3d: {  	_ =	shalt  }
0x3e: {  	_ =	shalt  }
0x3f: {  	_ =	shalt  }
0x40: {  	_ =	shalt  }
0x41: {  	_ =	shalt  }
0x42: {  	_ =	shalt  }
0x43: {  	_ =	shalt  }
0x44: {  	_ =	shalt  }
0x45: {  	_ =	shalt  }
0x46: {  	_ =	shalt  }
0x47: {  	_ =	shalt  }
0x48: {  	_ =	shalt  }
0x49: {  	_ =	shalt  }
0x4a: {  	_ =	shalt  }
0x4b: {  	_ =	shalt  }
0x4c: {  	_ =	shalt  }
0x4d: {  	_ =	shalt  }
0x4e: {  	_ =	shalt  }
0x4f: {  	_ =	shalt  }
0x50: {  	_ =	shalt  }
0x51: {  	_ =	shalt  }
0x52: {  	_ =	shalt  }
0x53: {  	_ =	shalt  }
0x54: {  	_ =	shalt  }
0x55: {  	_ =	shalt  }
0x56: {  	_ =	shalt  }
0x57: {  	_ =	shalt  }
0x58: {  	_ =	shalt  }
0x59: {  	_ =	shalt  }
0x5a: {  	_ =	shalt  }
0x5b: {  	_ =	shalt  }
0x5c: {  	_ =	shalt  }
0x5d: {  	_ =	shalt  }
0x5e: {  	_ =	shalt  }
0x5f: {  	_ =	shalt  }
0x60: {  	_ =	shalt  }
0x61: {  	_ =	shalt  }
0x62: {  	_ =	shalt  }
0x63: {  	_ =	shalt  }
0x64: {  	_ =	shalt  }
0x65: {  	_ =	shalt  }
0x66: {  	_ =	shalt  }
0x67: {  	_ =	shalt  }
0x68: {  	_ =	shalt  }
0x69: {  	_ =	shalt  }
0x6a: {  	_ =	shalt  }
0x6b: {  	_ =	shalt  }
0x6c: {  	_ =	shalt  }
0x6d: {  	_ =	shalt  }
0x6e: {  	_ =	shalt  }
0x6f: {  	_ =	shalt  }
0x70: {  	_ =	shalt  }
0x71: {  	_ =	shalt  }
0x72: {  	_ =	shalt  }
0x73: {  	_ =	shalt  }
0x74: {  	_ =	shalt  }
0x75: {  	_ =	shalt  }
0x76: {  	_ =	shalt  }
0x77: {  	_ =	shalt  }
0x78: {  	_ =	shalt  }
0x79: {  	_ =	shalt  }
0x7a: {  	_ =	shalt  }
0x7b: {  	_ =	shalt  }
0x7c: {  	_ =	shalt  }
0x7d: {  	_ =	shalt  }
0x7e: {  	_ =	shalt  }
0x7f: {  	_ =	shalt  }
0x80: {  	_ =	shalt  }
0x81: {  	_ =	shalt  }
0x82: {  	_ =	shalt  }
0x83: {  	_ =	shalt  }
0x84: {  	_ =	shalt  }
0x85: {  	_ =	shalt  }
0x86: {  	_ =	shalt  }
0x87: {  	_ =	shalt  }
.Lfunc_end0:
.L_simem_size_0:
called_computation_lowered:
.L_overlay_start_0:
0x88: {  	s2 =	sld [smem:$0x3FD9]  }
0x89: {  	s3 =	sld [smem:$0x3FFE];
	_ =	sdelay $0x1  }
0x8a: {  	s1 =	srdreg.scid  }
0x8b: {  	s0 =	sand.u32 $0x1, s1  }
0x8c: {  	s17 =	sshll.u32 s0, $0xA;
	s2 =	sadd.s32 s3, s2  }
0x8d: {  	s2 =	sadd.s32 s2, s17  }
0x8e: {  	[smem:$0x3FC6] =	sst s2  }
0x8f: {  	_ = 	snop  }
0x90: {  	s2 =	sld [smem:$0x3FC9]  }
0x91: {  	s18 =	sld [smem:$0x3FD0];
	(tm) =	ssettm $0x1  }
0x92: {  	s4 =	sld [smem:$0x3FFB];
	_ =	sdelay $0x3  }
0x93: {  	_ =	strace s4  }
0x94: {  	s4 =	sld [smem:$0x3FFC];
	_ =	sdelay $0x3  }
0x95: {  	_ =	strace s4  }
0x96: {  	s4 =	sld [smem:$0x3FFD];
	_ =	sdelay $0x3  }
0x97: {  	_ =	strace s4  }
0x98: {  	_ =	strace $0x8FFFFFFF  }
0x99: {  	s19 =	sld [smem:$0x3FDB];
	_ =	sdelay $0x1  }
0x9a: {  	s5 =	simm.s32 $_scs_section_size  }
0x9b: {  	s6 =	simm.s32 $_size__tile_overlayer_lowered;
	s7 =	simm.s32 $_tile_overlayer_lowered  }
0x9c: {  	s22 =	simm.s32 $0x1BFF;
	s21 =	sshll.u32 s7, $0x1;
	s4 =	sadd.s32 s5, s19  }
0x9d: {  	s8 =	simm.s32 $0x0;
	s20 =	sshll.u32 s6, $0x1;
	s6 =	sadd.s32 s21, s4  }
0x9e: {  	[timem:s8], [sflag:s22] =	dma.local [hbm:s6], s20  }
0x9f: {  	_ =	swait.ge [sflag:s22], s20  }
0xa0: {  	s5 =	ssub.s32 $0x0, s20;
	[sflag:s22] =	ssyncset.done $0x0  }
0xa1: {  	[sflag:s22] =	ssyncadd.s32 s5;
	_ =	sdelay $0x1  }
0xa2: {  	s23 =	simm.s32 $0x1B8B  }
0xa3: {  	_ =	swait.ge [sflag:s23], $0x1  }
0xa4: {  	[sflag:s23] =	ssyncset.done $0x0  }
0xa5: {  	s25 =	simm.s32 $0x1B8E;
	s24 =	sld [smem:$0x3FFE];
	[sflag:s23] =	ssyncadd.s32 $0xFFFFFFFF  }
0xa6: {  	s26 =	simm.s32 $execute0_lowered;
	[smem:$0x3FD2] =	sst s25  }
0xa7: {  	s6 =	sshll.u32 s26, $0x1;
	_ =	strace $0x80000046;
	[dreg:$0x1] =	wrdreg $0xFFFFFFFF  }
0xa8: {  	s28 =	simm.s32 $_size_execute0_lowered;
	s4 =	sadd.s32 s4, s6;
	[dreg:$0x0] =	wrdreg $0x0  }
0xa9: {  	s6 =	sshll.u32 s28, $0x1;
	[dreg:$0x2] =	wrdreg s4  }
0xaa: {  	[dreg:$0x3] =	wrdreg s6  }
0xab: {  	[dreg:$0x4] =	wrdreg $0xC0  }
0xac: {  	_ =	task [dreg:s8], $0x5FFFF  }
0xad: {  	[dreg:$0x1] =	wrdreg $0xFFFFFFFF  }
0xae: {  	[dreg:$0x0] =	wrdreg $0x60  }
0xaf: {  	[dreg:$0x2] =	wrdreg s24  }
0xb0: {  	[dreg:$0x3] =	wrdreg s2  }
0xb1: {  	[dreg:$0x4] =	wrdreg s18  }
0xb2: {  	[dreg:$0x5] =	wrdreg $0x9  }
0xb3: {  	_ =	task.clear_ibuf [dreg:s8], $0x6FFFF;
	_ =	strace $0x90000046  }
0xb4: {  	s29 =	simm.s32 $0x9;
	_ =	strace $0x80000048  }
0xb5: {  	_ =	swait.ge [sflag:s29], $0x1  }
0xb6: {  	[sflag:s29] =	ssyncadd.s32 $0xFFFFFFFF  }
0xb7: {  	_ =	strace $0x90000048  }
0xb8: {  	_ =	sfence  }
0xb9: {  	s30 =	sld [smem:$0x0];
	_ =	sdelay $0x2  }
0xba: {  	s31 =	sshll.u32 s1, $0xD;
	s1 =	sshrl.u32 s1, $0x2  }
0xbb: {  	s3 =	sand.u32 $0x4000, s31;
	s1 =	sadd.s32 s1, s30  }
0xbc: {  	s0 =	sor.u32 s3, s0;
	s1 =	sshll.u32 s1, $0x11  }
0xbd: {  	s0 =	sor.u32 s1, s0  }
0xbe: {  	s0 =	sadd.s32 $0x8F2B, s0  }
0xbf: {  	[sflag:s0] =	ssyncadd.remote.s32 $0x1  }
0xc0: {  	_ =	sfence.sel $0xFFFF  }
0xc1: {  	[dreg:$0x0] =	wrdreg $0xFFFFFFFF;
	(pc) =	sbr.abs _section_cstart, $3  }
0xc2: {  	[dreg:$0x1] =	wrdreg $0xFFFFFFFF  }
0xc3: {  	_ =	task.clear_ibuf [dreg:s8], $0x2FFFF;
	_ =	strace $0x9FFFFFFF  }
0xc4: {  	(tm) =	ssettm $0x7FFFFFFF  }
0xc5: {  	_ =	shalt  }
tec
execute0_lowered:
.L_overlay_start_1:
0x0: {  	(tag) =	ssettag $0x1  }
0x1: {  	s0 =	rddreg [dreg:$0x0]  }
0x2: {  	s2 =	rddreg [dreg:$0x1]  }
0x3: {  	s3 =	rddreg [dreg:$0x2];
	s1 =	simm.s32 $0x0  }
0x4: {  	s4 =	srdreg.scid;
	s7 =	stileid.u32;
	s28 =	simm.s32 $0x8380  }
0x5: {  	s29 =	simm.s32 $0x10380;
	[smem:$0x7FF] =	sst s1;
	s6 =	sadd.s32 $0x400, s0  }
0x6: {  	s19 =	sadd.s32 $0x40C, s0;
	_ =	strace $0x80000047;
	[dreg:$0x4] =	wrdreg s6  }
0x7: {  	s30 =	simm.s32 $0x1;
	s20 =	sadd.s32 $0x418, s0;
	[dreg:$0x5] =	wrdreg s19  }
0x8: {  	s31 =	simm.s32 $0x2;
	s21 =	sadd.s32 $0x424, s0;
	[dreg:$0x6] =	wrdreg s20  }
0x9: {  	s4 =	sand.u32 $0x1, s4;
	s22 =	sadd.s32 $0x430, s0;
	[dreg:$0x7] =	wrdreg s21  }
0xa: {  	s18 =	sshll.u32 s7, $0x10;
	s23 =	sadd.s32 $0x43C, s0;
	[dreg:$0x8] =	wrdreg s22  }
0xb: {  	s0 =	sadd.s32 $0x448, s0;
	s5 =	ssub.s32 $0x2, s4;
	[dreg:$0x9] =	wrdreg s23  }
0xc: {  	s4 =	sshll.u32 s4, $0xF;
	[dreg:$0xa] =	wrdreg s0;
	s20 =	simm.s32 $0x80  }
0xd: {  	s21 =	simm.s32 $0x100;
	s22 =	simm.s32 $0x180;
	s4 =	sor.u32 s4, s18  }
0xe: {  	s23 =	simm.s32 $0x200;
	s17 =	sshrl.u32 s5, $0x1;
	s24 =	sshrl.u32 s4, $0x3  }
0xf: {  	s5 =	ssub.s32 s5, s17;
	s10 =	sadd.s32 s3, s4;
	s0 =	sadd.s32 s2, s24  }
0x10: {  	s25 =	sadd.s32 $0x1000, s10;
	s26 =	sadd.s32 $0x2000, s10;
	s14 =	sadd.s32 $0x3000, s10  }
0x11: {  	s15 =	sadd.s32 $0x4000, s10;
	s16 =	sadd.s32 $0x5000, s10;
	[dreg:$0xb] =	wrdreg s0  }
0x12: {  	s17 =	sadd.s32 $0x6000, s10;
	s18 =	sadd.s32 $0x7000, s10;
	[dreg:$0xc] =	wrdreg s25  }
0x13: {  	s19 =	smax.u32 s5, $0x1;
	s24 =	simm.s32 $0x280;
	[dreg:$0xd] =	wrdreg s26  }
0x14: {  	s25 =	simm.s32 $0x300;
	s26 =	simm.s32 $0x3;
	s0 =	simm.s32 $0x0  }
.LBB2_1:
0x15: {  	s2 =	rddreg [dreg:$0x4]  }
0x16: {  	[tilespmem:s1], [sflag:$0x3] =	stream.linear.gather [hbm4b:s2+s1], $0x60, $0x38;
	[tilespmem:$0x18380] =	vst v63  }
0x17: {  	s9 =	rddreg [dreg:$0x5]  }
0x18: {  	[tilespmem:s20], [sflag:$0x3] =	stream.linear.gather [hbm4b:s9+s1], $0x60, $0x38;
	[tilespmem:$0x18380] =	vst v63  }
0x19: {  	s11 =	rddreg [dreg:$0x6]  }
0x1a: {  	[tilespmem:s21], [sflag:$0x3] =	stream.linear.gather [hbm4b:s11+s1], $0x60, $0x38;
	[tilespmem:$0x18380] =	vst v63  }
0x1b: {  	s12 =	rddreg [dreg:$0x7]  }
0x1c: {  	[tilespmem:s22], [sflag:$0x3] =	stream.linear.gather [hbm4b:s12+s1], $0x60, $0x38;
	[tilespmem:$0x18380] =	vst v63  }
0x1d: {  	s13 =	rddreg [dreg:$0x8]  }
0x1e: {  	[tilespmem:s23], [sflag:$0x3] =	stream.linear.gather [hbm4b:s13+s1], $0x60, $0x38;
	[tilespmem:$0x18380] =	vst v63  }
0x1f: {  	s3 =	rddreg [dreg:$0x9]  }
0x20: {  	[tilespmem:s24], [sflag:$0x3] =	stream.linear.gather [hbm4b:s3+s1], $0x60, $0x38;
	[tilespmem:$0x18380] =	vst v63  }
0x21: {  	s4 =	rddreg [dreg:$0xa]  }
0x22: {  	[tilespmem:s25], [sflag:$0x3] =	stream.linear.gather [hbm4b:s4+s1], $0x60, $0x38;
	[tilespmem:$0x18380] =	vst v63  }
0x23: {  	s5 =	simm.s32 $0x380;
	s3 =	rddreg [dreg:$0xb]  }
0x24: {  	[tilespmem:s5], [sflag:$0x3] =	stream.linear.gather [hbm4b:s3+s1], $0x8000, $0x38;
	[tilespmem:$0x18380] =	vst v63  }
0x25: {  	_ =	swait.ge [sflag:s26], $0x60  }
0x26: {  	[sflag:s26] =	ssyncset.done $0x0  }
0x27: {  	[sflag:s26] =	ssyncadd.s32 $0xFFFFFFA0  }
0x28: {  	_ =	swait.ge [sflag:s26], $0x60  }
0x29: {  	[sflag:s26] =	ssyncset.done $0x0  }
0x2a: {  	[sflag:s26] =	ssyncadd.s32 $0xFFFFFFA0  }
0x2b: {  	_ =	swait.ge [sflag:s26], $0x60  }
0x2c: {  	[sflag:s26] =	ssyncset.done $0x0  }
0x2d: {  	[sflag:s26] =	ssyncadd.s32 $0xFFFFFFA0  }
0x2e: {  	_ =	swait.ge [sflag:s26], $0x60  }
0x2f: {  	[sflag:s26] =	ssyncset.done $0x0  }
0x30: {  	[sflag:s26] =	ssyncadd.s32 $0xFFFFFFA0  }
0x31: {  	_ =	swait.ge [sflag:s26], $0x60  }
0x32: {  	[sflag:s26] =	ssyncset.done $0x0  }
0x33: {  	[sflag:s26] =	ssyncadd.s32 $0xFFFFFFA0  }
0x34: {  	_ =	swait.ge [sflag:s26], $0x60  }
0x35: {  	[sflag:s26] =	ssyncset.done $0x0  }
0x36: {  	[sflag:s26] =	ssyncadd.s32 $0xFFFFFFA0  }
0x37: {  	_ =	swait.ge [sflag:s26], $0x60  }
0x38: {  	[sflag:s26] =	ssyncset.done $0x0  }
0x39: {  	[sflag:s26] =	ssyncadd.s32 $0xFFFFFFA0  }
0x3a: {  	_ =	swait.ge [sflag:s26], $0x8000  }
0x3b: {  	[sflag:s26] =	ssyncset.done $0x0  }
0x3c: {  	[sflag:s26] =	ssyncadd.s32 $0xFFFF8000  }
0x3d: {  	v2 =	vld [tilespmem:s5+$0x0];
	_ =	sdelay $0x2  }
0x3e: {  	s6 =	simm.s32 $0x390  }
0x3f: {  	v0 =	vld [tilespmem:s6+$0x0];
	_ =	sdelay $0x1  }
0x40: {  	s4 =	simm.s32 $0x3A0  }
0x41: {  	v1 =	vld [tilespmem:s4+$0x0]  }
0x42: {  	v3 =	vld.idx.msk [tilespmem:v2+s1+$0x0], $0xffff;
	_ =	sdelay $0x2  }
0x43: {  	s7 =	sand.u32 $0x70, s1;
	s8 =	sand.u32 $0x7C00, s1  }
0x44: {  	s3 =	sor.u32 s7, s8;
	v5 =	vld.idx.msk [tilespmem:v0+s1+$0x0], $0xffff  }
0x45: {  	[tilespmem:s3+$0x8380] =	vst v3  }
0x46: {  	s9 =	simm.s32 $0x10;
	s11 =	simm.s32 $0x80;
	v4 =	vld.idx.msk [tilespmem:v2+s20+$0x0], $0xffff  }
0x47: {  	s2 =	sand.u32 $0x70, s9;
	s4 =	sand.u32 $0x7C00, s11  }
0x48: {  	s5 =	simm.s32 $0x3B0;
	s2 =	sor.u32 s2, s4;
	v7 =	vld.idx.msk [tilespmem:v1+s1+$0x0], $0xffff  }
0x49: {  	v3 =	vld [tilespmem:s5+$0x0];
	[tilespmem:s2+$0x8380] =	vst v5  }
0x4a: {  	s12 =	simm.s32 $0x20;
	s6 =	simm.s32 $0x100;
	v6 =	vld.idx.msk [tilespmem:v0+s20+$0x0], $0xffff  }
0x4b: {  	s4 =	sand.u32 $0x70, s12;
	s7 =	sand.u32 $0x7C00, s6;
	[tilespmem:s3+$0x8400] =	vst v4  }
0x4c: {  	s4 =	sor.u32 s4, s7;
	v5 =	vld.idx.msk [tilespmem:v2+s21+$0x0], $0xffff  }
0x4d: {  	[tilespmem:s4+$0x8380] =	vst v7  }
0x4e: {  	s13 =	simm.s32 $0x3C0;
	v8 =	vld.idx.msk [tilespmem:v1+s20+$0x0], $0xffff  }
0x4f: {  	v4 =	vld [tilespmem:s13+$0x0];
	[tilespmem:s2+$0x8400] =	vst v6  }
0x50: {  	v7 =	vld.idx.msk [tilespmem:v0+s21+$0x0], $0xffff  }
0x51: {  	v9 =	vld.idx.msk [tilespmem:v3+s1+$0x0], $0xffff;
	[tilespmem:s3+$0x8480] =	vst v5  }
0x52: {  	v6 =	vld.idx.msk [tilespmem:v2+s22+$0x0], $0xffff  }
0x53: {  	s9 =	simm.s32 $0x30;
	s11 =	simm.s32 $0x180  }
0x54: {  	s8 =	simm.s32 $0x3D0;
	s6 =	sand.u32 $0x70, s9;
	s5 =	sand.u32 $0x7C00, s11;
	[tilespmem:s4+$0x8400] =	vst v8  }
0x55: {  	s5 =	sor.u32 s6, s5;
	v5 =	vld [tilespmem:s8+$0x0];
	[tilespmem:s2+$0x8480] =	vst v7  }
0x56: {  	v8 =	vld.idx.msk [tilespmem:v0+s22+$0x0], $0xffff;
	[tilespmem:s5+$0x8380] =	vst v9  }
0x57: {  	v9 =	vld.idx.msk [tilespmem:v1+s21+$0x0], $0xffff;
	[tilespmem:s3+$0x8500] =	vst v6  }
0x58: {  	v7 =	vld.idx.msk [tilespmem:v2+s23+$0x0], $0xffff  }
0x59: {  	v10 =	vld.idx.msk [tilespmem:v3+s20+$0x0], $0xffff  }
0x5a: {  	s12 =	simm.s32 $0x3E0;
	v11 =	vld.idx.msk [tilespmem:v4+s1+$0x0], $0xffff  }
0x5b: {  	v6 =	vld [tilespmem:s12+$0x0];
	[tilespmem:s2+$0x8500] =	vst v8  }
0x5c: {  	s7 =	simm.s32 $0x200;
	s13 =	simm.s32 $0x40;
	[tilespmem:s4+$0x8480] =	vst v9;
	v15 =	vld.idx.msk [tilespmem:v0+s23+$0x0], $0xffff  }
0x5d: {  	s6 =	sand.u32 $0x70, s13;
	s8 =	sand.u32 $0x7C00, s7;
	v13 =	vld.idx.msk [tilespmem:v1+s22+$0x0], $0xffff;
	[tilespmem:s3+$0x8580] =	vst v7  }
0x5e: {  	s6 =	sor.u32 s6, s8;
	[tilespmem:s5+$0x8400] =	vst v10;
	v16 =	vld.idx.msk [tilespmem:v2+s24+$0x0], $0xffff  }
0x5f: {  	[tilespmem:s6+$0x8380] =	vst v11;
	v17 =	vld.idx.msk [tilespmem:v3+s21+$0x0], $0xffff  }
0x60: {  	s9 =	simm.s32 $0x3F0;
	v12 =	vmovc v0;
	v14 =	vmov v1;
	v18 =	vmov v3;
	v20 =	vmov v4;
	v19 =	vld.idx.msk [tilespmem:v4+s20+$0x0], $0xffff  }
0x61: {  	s11 =	simm.s32 $0x70;
	s8 =	simm.s32 $0x60;
	s12 =	simm.s32 $0x50;
	v9 =	vmovc v1;
	v8 =	vmovc v3;
	v10 =	vmov v5;
	v21 =	vld.idx.msk [tilespmem:v5+s1+$0x0], $0xffff;
	v11 =	vmov v6;
	v7 =	vmov v4  }
.LBB2_2:
0x62: {  	v22 =	vmovc v1;
	v1 =	vmovc v3;
	v3 =	vmov v4;
	v4 =	vmov v5;
	v5 =	vmov v6  }
0x63: {  	p0 =	sne.s32 s11, $0xFF0;
	s13 =	smov.u32 s2;
	s2 =	smov.u32 s4;
	v6 =	vld [tilespmem:s9+$0x0];
	[tilespmem:s3+$0x8600] =	vst v16  }
0x64: {  	s4 =	smov.u32 s5;
	s5 =	smov.u32 s6;
	[tilespmem:s13+$0x8580] =	vst v15;
	v23 =	vld.idx.msk [tilespmem:v2+s25+$0x0], $0xffff;
	v2 =	vmovc v0;
	v0 =	vmovc v9;
	v9 =	vmov v8;
	v8 =	vmov v7;
	v7 =	vmov v10  }
0x65: {  	s7 =	sadd.s32 $0x80, s7;
	v10 =	vmov v11;
	[tilespmem:s2+$0x8500] =	vst v13;
	v16 =	vld.idx.msk [tilespmem:v12+s24+$0x0], $0xffff;
	v12 =	vmov v22  }
.Ltmp0:
0x66: {  	s6 =	sand.u32 $0x70, s12;
	s12 =	sand.u32 $0x7C00, s7;
	[tilespmem:s4+$0x8480] =	vst v17;
	v15 =	vld.idx.msk [tilespmem:v14+s23+$0x0], $0xffff;
	v14 =	vmov v1;
	(pc) =	sbr.rel @p0 .LBB2_2-.Ltmp0, $4  }
0x67: {  	s6 =	sor.u32 s6, s12;
	s12 =	smov.u32 s8;
	s8 =	smov.u32 s11;
	[tilespmem:s5+$0x8400] =	vst v19;
	v13 =	vld.idx.msk [tilespmem:v18+s22+$0x0], $0xffff;
	v18 =	vmov v3  }
0x68: {  	[tilespmem:s6+$0x8380] =	vst v21;
	v17 =	vld.idx.msk [tilespmem:v20+s21+$0x0], $0xffff;
	v11 =	vmov v6;
	v20 =	vmov v4  }
0x69: {  	v19 =	vld.idx.msk [tilespmem:v7+s20+$0x0], $0xffff  }
0x6a: {  	s9 =	sadd.s32 $0x10, s9;
	s11 =	sadd.s32 $0x10, s11;
	v21 =	vld.idx.msk [tilespmem:v10+s1+$0x0], $0xffff;
	[tilespmem:s3+$0x8680] =	vst v23;
	s3 =	smov.u32 s13  }
0x6b: {  	_ =	sdelay $0x3  }
0x6c: {  	v22 =	vld.idx.msk [tilespmem:v11+s1+$0x0], $0xffff  }
0x6d: {  	s7 =	sadd.s32 $0x80, s7  }
0x6e: {  	s9 =	sand.u32 $0x70, s12;
	s11 =	sand.u32 $0x7C00, s7;
	s7 =	sadd.s32 $0x80, s7  }
0x6f: {  	s8 =	sand.u32 $0x70, s8;
	s11 =	sor.u32 s9, s11;
	s13 =	sand.u32 $0x7C00, s7  }
0x70: {  	s8 =	sor.u32 s8, s13;
	[tilespmem:s11+$0x8380] =	vst v21  }
0x71: {  	v21 =	vld.idx.msk [tilespmem:v10+s20+$0x0], $0xffff;
	[tilespmem:s8+$0x8380] =	vst v22  }
0x72: {  	v22 =	vld.idx.msk [tilespmem:v11+s20+$0x0], $0xffff;
	_ =	sdelay $0x2  }
0x73: {  	[tilespmem:s6+$0x8400] =	vst v19  }
0x74: {  	v19 =	vld.idx.msk [tilespmem:v20+s21+$0x0], $0xffff;
	[tilespmem:s11+$0x8400] =	vst v21  }
0x75: {  	v20 =	vld.idx.msk [tilespmem:v5+s21+$0x0], $0xffff;
	[tilespmem:s8+$0x8400] =	vst v22  }
0x76: {  	v21 =	vld.idx.msk [tilespmem:v6+s21+$0x0], $0xffff  }
0x77: {  	[tilespmem:s3+$0x8600] =	vst v16  }
0x78: {  	[tilespmem:s5+$0x8480] =	vst v17  }
0x79: {  	v16 =	vld.idx.msk [tilespmem:v18+s22+$0x0], $0xffff;
	[tilespmem:s6+$0x8480] =	vst v19  }
0x7a: {  	v17 =	vld.idx.msk [tilespmem:v4+s22+$0x0], $0xffff;
	[tilespmem:s11+$0x8480] =	vst v20  }
0x7b: {  	v18 =	vld.idx.msk [tilespmem:v5+s22+$0x0], $0xffff;
	[tilespmem:s8+$0x8480] =	vst v21  }
0x7c: {  	[tilespmem:s2+$0x8580] =	vst v15;
	v15 =	vld.idx.msk [tilespmem:v6+s22+$0x0], $0xffff  }
0x7d: {  	v2 =	vld.idx.msk [tilespmem:v2+s25+$0x0], $0xffff;
	[tilespmem:s4+$0x8500] =	vst v13  }
0x7e: {  	v13 =	vld.idx.msk [tilespmem:v14+s23+$0x0], $0xffff;
	[tilespmem:s5+$0x8500] =	vst v16  }
0x7f: {  	v14 =	vld.idx.msk [tilespmem:v3+s23+$0x0], $0xffff;
	[tilespmem:s6+$0x8500] =	vst v17  }
0x80: {  	v16 =	vld.idx.msk [tilespmem:v4+s23+$0x0], $0xffff;
	[tilespmem:s11+$0x8500] =	vst v18  }
0x81: {  	v17 =	vld.idx.msk [tilespmem:v5+s23+$0x0], $0xffff;
	[tilespmem:s8+$0x8500] =	vst v15  }
0x82: {  	[tilespmem:s3+$0x8680] =	vst v2;
	v2 =	vld.idx.msk [tilespmem:v6+s23+$0x0], $0xffff  }
0x83: {  	v12 =	vld.idx.msk [tilespmem:v12+s24+$0x0], $0xffff;
	[tilespmem:s4+$0x8580] =	vst v13  }
0x84: {  	v1 =	vld.idx.msk [tilespmem:v1+s24+$0x0], $0xffff;
	[tilespmem:s5+$0x8580] =	vst v14  }
0x85: {  	v3 =	vld.idx.msk [tilespmem:v3+s24+$0x0], $0xffff;
	[tilespmem:s6+$0x8580] =	vst v16  }
0x86: {  	v4 =	vld.idx.msk [tilespmem:v4+s24+$0x0], $0xffff;
	[tilespmem:s11+$0x8580] =	vst v17  }
0x87: {  	v5 =	vld.idx.msk [tilespmem:v5+s24+$0x0], $0xffff;
	[tilespmem:s8+$0x8580] =	vst v2  }
0x88: {  	[tilespmem:s2+$0x8600] =	vst v12;
	v2 =	vld.idx.msk [tilespmem:v6+s24+$0x0], $0xffff  }
0x89: {  	v0 =	vld.idx.msk [tilespmem:v0+s25+$0x0], $0xffff;
	[tilespmem:s4+$0x8600] =	vst v1  }
0x8a: {  	v1 =	vld.idx.msk [tilespmem:v9+s25+$0x0], $0xffff;
	[tilespmem:s5+$0x8600] =	vst v3  }
0x8b: {  	v3 =	vld.idx.msk [tilespmem:v8+s25+$0x0], $0xffff;
	[tilespmem:s6+$0x8600] =	vst v4  }
0x8c: {  	v4 =	vld.idx.msk [tilespmem:v7+s25+$0x0], $0xffff;
	[tilespmem:s11+$0x8600] =	vst v5  }
0x8d: {  	v5 =	vld.idx.msk [tilespmem:v10+s25+$0x0], $0xffff;
	[tilespmem:s8+$0x8600] =	vst v2  }
0x8e: {  	[tilespmem:s2+$0x8680] =	vst v0;
	v0 =	vld.idx.msk [tilespmem:v11+s25+$0x0], $0xffff  }
0x8f: {  	[tilespmem:s4+$0x8680] =	vst v1  }
0x90: {  	[tilespmem:s5+$0x8680] =	vst v3  }
0x91: {  	[tilespmem:s6+$0x8680] =	vst v4  }
0x92: {  	[tilespmem:s11+$0x8680] =	vst v5;
	s11 =	simm.s32 $0x0  }
0x93: {  	[tilespmem:s8+$0x8680] =	vst v0;
	s12 =	sand.u32 $0xFF0, s11  }
0x94: {  	[hbm4b:s10+s11] =	stream.linear.scatter [tilespmem:s28], [sflag:$0x1], $0x8000, $0x38;
	[tilespmem:$0x18380] =	vst v63  }
0x95: {  	s13 =	simm.s32 $0x10;
	v7 =	vld [tilespmem:s12+$0x1380]  }
0x96: {  	s6 =	sand.u32 $0xFF0, s13  }
0x97: {  	v1 =	vld [tilespmem:s6+$0x1380]  }
0x98: {  	s4 =	simm.s32 $0x20  }
0x99: {  	s8 =	sand.u32 $0xFF0, s4  }
0x9a: {  	v0 =	vld [tilespmem:s8+$0x1380];
	_ =	sdelay $0x2  }
0x9b: {  	v2 =	vld.idx.msk [tilespmem:v7+s1+$0x0], $0xffff;
	_ =	sdelay $0x1  }
0x9c: {  	v4 =	vld.idx.msk [tilespmem:v1+s1+$0x0], $0xffff  }
0x9d: {  	s7 =	sand.u32 $0x70, s11;
	s2 =	sand.u32 $0x7C00, s11  }
0x9e: {  	s9 =	simm.s32 $0x80;
	s5 =	sor.u32 s7, s2  }
0x9f: {  	s3 =	sand.u32 $0x70, s13;
	s2 =	sand.u32 $0x7C00, s9;
	s6 =	simm.s32 $0x30;
	v6 =	vld.idx.msk [tilespmem:v0+s1+$0x0], $0xffff;
	[tilespmem:s5+$0x10380] =	vst v2  }
0xa0: {  	s3 =	sor.u32 s3, s2;
	s11 =	sand.u32 $0xFF0, s6;
	v3 =	vld.idx.msk [tilespmem:v7+s20+$0x0], $0xffff  }
0xa1: {  	v2 =	vld [tilespmem:s11+$0x1380];
	[tilespmem:s3+$0x10380] =	vst v4  }
0xa2: {  	v5 =	vld.idx.msk [tilespmem:v1+s20+$0x0], $0xffff  }
0xa3: {  	s13 =	simm.s32 $0x100  }
0xa4: {  	s4 =	sand.u32 $0x70, s4;
	s8 =	sand.u32 $0x7C00, s13  }
0xa5: {  	s2 =	sor.u32 s4, s8;
	[tilespmem:s5+$0x10400] =	vst v3  }
0xa6: {  	[tilespmem:s2+$0x10380] =	vst v6;
	v4 =	vld.idx.msk [tilespmem:v7+s21+$0x0], $0xffff  }
0xa7: {  	s7 =	simm.s32 $0x40;
	v8 =	vld.idx.msk [tilespmem:v0+s20+$0x0], $0xffff;
	[tilespmem:s3+$0x10400] =	vst v5  }
0xa8: {  	s12 =	sand.u32 $0xFF0, s7;
	v6 =	vld.idx.msk [tilespmem:v1+s21+$0x0], $0xffff  }
0xa9: {  	v3 =	vld [tilespmem:s12+$0x1380]  }
0xaa: {  	v9 =	vld.idx.msk [tilespmem:v2+s1+$0x0], $0xffff  }
0xab: {  	s12 =	simm.s32 $0x50;
	[tilespmem:s5+$0x10480] =	vst v4  }
0xac: {  	s11 =	simm.s32 $0x180;
	s9 =	sand.u32 $0xFF0, s12;
	v5 =	vld.idx.msk [tilespmem:v7+s22+$0x0], $0xffff  }
0xad: {  	s6 =	sand.u32 $0x70, s6;
	s4 =	sand.u32 $0x7C00, s11;
	v4 =	vld [tilespmem:s9+$0x1380];
	[tilespmem:s3+$0x10480] =	vst v6  }
0xae: {  	s4 =	sor.u32 s6, s4;
	[tilespmem:s2+$0x10400] =	vst v8;
	v8 =	vld.idx.msk [tilespmem:v1+s22+$0x0], $0xffff  }
0xaf: {  	[tilespmem:s4+$0x10380] =	vst v9;
	v9 =	vld.idx.msk [tilespmem:v0+s21+$0x0], $0xffff  }
0xb0: {  	v10 =	vld.idx.msk [tilespmem:v2+s20+$0x0], $0xffff  }
0xb1: {  	v11 =	vld.idx.msk [tilespmem:v3+s1+$0x0], $0xffff;
	[tilespmem:s5+$0x10500] =	vst v5  }
0xb2: {  	s8 =	simm.s32 $0x60;
	v6 =	vld.idx.msk [tilespmem:v7+s23+$0x0], $0xffff  }
0xb3: {  	s13 =	sand.u32 $0xFF0, s8;
	s9 =	simm.s32 $0x200;
	[tilespmem:s3+$0x10500] =	vst v8  }
0xb4: {  	s7 =	sand.u32 $0x70, s7;
	s6 =	sand.u32 $0x7C00, s9;
	v5 =	vld [tilespmem:s13+$0x1380];
	[tilespmem:s2+$0x10480] =	vst v9  }
0xb5: {  	s6 =	sor.u32 s7, s6;
	v9 =	vld.idx.msk [tilespmem:v1+s23+$0x0], $0xffff;
	[tilespmem:s4+$0x10400] =	vst v10  }
0xb6: {  	v10 =	vld.idx.msk [tilespmem:v0+s22+$0x0], $0xffff;
	[tilespmem:s6+$0x10380] =	vst v11  }
0xb7: {  	v11 =	vld.idx.msk [tilespmem:v2+s21+$0x0], $0xffff;
	[tilespmem:s5+$0x10580] =	vst v6  }
0xb8: {  	v8 =	vld.idx.msk [tilespmem:v7+s24+$0x0], $0xffff  }
0xb9: {  	s9 =	simm.s32 $0x70;
	v12 =	vld.idx.msk [tilespmem:v3+s20+$0x0], $0xffff  }
0xba: {  	s11 =	sand.u32 $0xFF0, s9;
	v13 =	vld.idx.msk [tilespmem:v4+s1+$0x0], $0xffff  }
0xbb: {  	v6 =	vld [tilespmem:s11+$0x1380];
	[tilespmem:s3+$0x10580] =	vst v9  }
0xbc: {  	[tilespmem:s2+$0x10500] =	vst v10;
	v17 =	vld.idx.msk [tilespmem:v1+s24+$0x0], $0xffff  }
0xbd: {  	s11 =	simm.s32 $0x280;
	v16 =	vld.idx.msk [tilespmem:v0+s23+$0x0], $0xffff;
	[tilespmem:s5+$0x10600] =	vst v8  }
0xbe: {  	s12 =	sand.u32 $0x70, s12;
	s13 =	sand.u32 $0x7C00, s11;
	[tilespmem:s4+$0x10480] =	vst v11;
	v14 =	vld.idx.msk [tilespmem:v7+s25+$0x0], $0xffff;
	v7 =	vmov v5  }
0xbf: {  	[tilespmem:s6+$0x10400] =	vst v12;
	s7 =	sor.u32 s12, s13;
	v15 =	vld.idx.msk [tilespmem:v2+s22+$0x0], $0xffff  }
0xc0: {  	v18 =	vmov v3;
	v20 =	vmov v4;
	v10 =	vmov v2;
	v19 =	vld.idx.msk [tilespmem:v3+s21+$0x0], $0xffff;
	[tilespmem:s7+$0x10380] =	vst v13  }
0xc1: {  	v9 =	vmovc v3;
	v12 =	vmovc v0;
	s12 =	simm.s32 $0x80;
	v13 =	vmov v2;
	v21 =	vld.idx.msk [tilespmem:v4+s20+$0x0], $0xffff;
	v11 =	vmov v6;
	v8 =	vmov v4  }
.LBB2_4:
0xc2: {  	v22 =	vmovc v2;
	v2 =	vmovc v3;
	v3 =	vmov v4;
	v4 =	vmov v5;
	v5 =	vmov v6  }
0xc3: {  	s13 =	sand.u32 $0xFF0, s12;
	p0 =	sne.s32 s12, $0xFF0;
	v23 =	vld.idx.msk [tilespmem:v7+s1+$0x0], $0xffff;
	[tilespmem:s5+$0x10680] =	vst v14;
	s5 =	smov.u32 s3  }
0xc4: {  	s3 =	smov.u32 s2;
	s2 =	smov.u32 s4;
	s4 =	smov.u32 s6;
	v6 =	vld [tilespmem:s13+$0x1380];
	[tilespmem:s5+$0x10600] =	vst v17  }
0xc5: {  	s6 =	smov.u32 s7;
	[tilespmem:s3+$0x10580] =	vst v16;
	v14 =	vld.idx.msk [tilespmem:v1+s25+$0x0], $0xffff;
	v1 =	vmovc v0;
	v0 =	vmovc v10;
	v10 =	vmov v9;
	v9 =	vmov v8;
	v8 =	vmov v7  }
.Ltmp1:
0xc6: {  	s11 =	sadd.s32 $0x80, s11;
	v7 =	vmov v11;
	[tilespmem:s2+$0x10500] =	vst v15;
	v17 =	vld.idx.msk [tilespmem:v12+s24+$0x0], $0xffff;
	v12 =	vmov v22;
	(pc) =	sbr.rel @p0 .LBB2_4-.Ltmp1, $4  }
0xc7: {  	s7 =	sand.u32 $0x70, s8;
	s8 =	smov.u32 s9;
	s13 =	sand.u32 $0x7C00, s11;
	[tilespmem:s4+$0x10480] =	vst v19;
	v16 =	vld.idx.msk [tilespmem:v13+s23+$0x0], $0xffff;
	v13 =	vmov v2  }
0xc8: {  	s9 =	smov.u32 s12;
	s7 =	sor.u32 s7, s13;
	[tilespmem:s6+$0x10400] =	vst v21;
	v15 =	vld.idx.msk [tilespmem:v18+s22+$0x0], $0xffff;
	v18 =	vmov v3  }
0xc9: {  	[tilespmem:s7+$0x10380] =	vst v23;
	v19 =	vld.idx.msk [tilespmem:v20+s21+$0x0], $0xffff;
	v11 =	vmov v6;
	v20 =	vmov v4  }
0xca: {  	s12 =	sadd.s32 $0x10, s12;
	v21 =	vld.idx.msk [tilespmem:v8+s20+$0x0], $0xffff  }
0xcb: {  	_ =	sdelay $0x3  }
0xcc: {  	v22 =	vld.idx.msk [tilespmem:v7+s1+$0x0], $0xffff  }
0xcd: {  	v23 =	vld.idx.msk [tilespmem:v11+s1+$0x0], $0xffff  }
0xce: {  	s11 =	sadd.s32 $0x80, s11  }
0xcf: {  	s8 =	sand.u32 $0x70, s8;
	s12 =	sand.u32 $0x7C00, s11;
	s11 =	sadd.s32 $0x80, s11  }
0xd0: {  	s9 =	sand.u32 $0x70, s9;
	s8 =	sor.u32 s8, s12;
	s11 =	sand.u32 $0x7C00, s11  }
0xd1: {  	s9 =	sor.u32 s9, s11;
	[tilespmem:s8+$0x10380] =	vst v22  }
0xd2: {  	[tilespmem:s9+$0x10380] =	vst v23;
	v22 =	vld.idx.msk [tilespmem:v7+s20+$0x0], $0xffff  }
0xd3: {  	v23 =	vld.idx.msk [tilespmem:v11+s20+$0x0], $0xffff;
	_ =	sdelay $0x2  }
0xd4: {  	[tilespmem:s7+$0x10400] =	vst v21  }
0xd5: {  	v20 =	vld.idx.msk [tilespmem:v20+s21+$0x0], $0xffff;
	[tilespmem:s8+$0x10400] =	vst v22  }
0xd6: {  	[tilespmem:s9+$0x10400] =	vst v23;
	v21 =	vld.idx.msk [tilespmem:v5+s21+$0x0], $0xffff  }
0xd7: {  	[tilespmem:s5+$0x10680] =	vst v14;
	v14 =	vld.idx.msk [tilespmem:v6+s21+$0x0], $0xffff  }
0xd8: {  	[tilespmem:s3+$0x10600] =	vst v17  }
0xd9: {  	[tilespmem:s6+$0x10480] =	vst v19  }
0xda: {  	v17 =	vld.idx.msk [tilespmem:v18+s22+$0x0], $0xffff;
	[tilespmem:s7+$0x10480] =	vst v20  }
0xdb: {  	v18 =	vld.idx.msk [tilespmem:v4+s22+$0x0], $0xffff;
	[tilespmem:s8+$0x10480] =	vst v21  }
0xdc: {  	[tilespmem:s9+$0x10480] =	vst v14;
	v19 =	vld.idx.msk [tilespmem:v5+s22+$0x0], $0xffff  }
0xdd: {  	[tilespmem:s2+$0x10580] =	vst v16;
	v14 =	vld.idx.msk [tilespmem:v6+s22+$0x0], $0xffff  }
0xde: {  	v1 =	vld.idx.msk [tilespmem:v1+s25+$0x0], $0xffff;
	[tilespmem:s4+$0x10500] =	vst v15  }
0xdf: {  	v13 =	vld.idx.msk [tilespmem:v13+s23+$0x0], $0xffff;
	[tilespmem:s6+$0x10500] =	vst v17  }
0xe0: {  	v15 =	vld.idx.msk [tilespmem:v3+s23+$0x0], $0xffff;
	[tilespmem:s7+$0x10500] =	vst v18  }
0xe1: {  	v16 =	vld.idx.msk [tilespmem:v4+s23+$0x0], $0xffff;
	[tilespmem:s8+$0x10500] =	vst v19  }
0xe2: {  	[tilespmem:s9+$0x10500] =	vst v14;
	v17 =	vld.idx.msk [tilespmem:v5+s23+$0x0], $0xffff  }
0xe3: {  	[tilespmem:s3+$0x10680] =	vst v1;
	v1 =	vld.idx.msk [tilespmem:v6+s23+$0x0], $0xffff  }
0xe4: {  	v12 =	vld.idx.msk [tilespmem:v12+s24+$0x0], $0xffff;
	[tilespmem:s4+$0x10580] =	vst v13  }
0xe5: {  	v2 =	vld.idx.msk [tilespmem:v2+s24+$0x0], $0xffff;
	[tilespmem:s6+$0x10580] =	vst v15  }
0xe6: {  	v3 =	vld.idx.msk [tilespmem:v3+s24+$0x0], $0xffff;
	[tilespmem:s7+$0x10580] =	vst v16  }
0xe7: {  	v4 =	vld.idx.msk [tilespmem:v4+s24+$0x0], $0xffff;
	[tilespmem:s8+$0x10580] =	vst v17  }
0xe8: {  	[tilespmem:s9+$0x10580] =	vst v1;
	v5 =	vld.idx.msk [tilespmem:v5+s24+$0x0], $0xffff  }
0xe9: {  	[tilespmem:s2+$0x10600] =	vst v12;
	v1 =	vld.idx.msk [tilespmem:v6+s24+$0x0], $0xffff  }
0xea: {  	v0 =	vld.idx.msk [tilespmem:v0+s25+$0x0], $0xffff;
	[tilespmem:s4+$0x10600] =	vst v2  }
0xeb: {  	v2 =	vld.idx.msk [tilespmem:v10+s25+$0x0], $0xffff;
	[tilespmem:s6+$0x10600] =	vst v3  }
0xec: {  	v3 =	vld.idx.msk [tilespmem:v9+s25+$0x0], $0xffff;
	[tilespmem:s7+$0x10600] =	vst v4  }
0xed: {  	v4 =	vld.idx.msk [tilespmem:v8+s25+$0x0], $0xffff;
	[tilespmem:s8+$0x10600] =	vst v5  }
0xee: {  	[tilespmem:s9+$0x10600] =	vst v1;
	v5 =	vld.idx.msk [tilespmem:v7+s25+$0x0], $0xffff  }
0xef: {  	[tilespmem:s2+$0x10680] =	vst v0;
	v0 =	vld.idx.msk [tilespmem:v11+s25+$0x0], $0xffff  }
0xf0: {  	[tilespmem:s4+$0x10680] =	vst v2  }
0xf1: {  	[tilespmem:s6+$0x10680] =	vst v3  }
0xf2: {  	[tilespmem:s7+$0x10680] =	vst v4  }
0xf3: {  	[tilespmem:s8+$0x10680] =	vst v5  }
0xf4: {  	[tilespmem:s9+$0x10680] =	vst v0  }
0xf5: {  	s11 =	simm.s32 $0x0;
	s3 =	rddreg [dreg:$0xc]  }
0xf6: {  	[hbm4b:s3+s11] =	stream.linear.scatter [tilespmem:s29], [sflag:$0x2], $0x8000, $0x38;
	[tilespmem:$0x18380] =	vst v63  }
0xf7: {  	_ =	swait.ge [sflag:s30], $0x8000  }
0xf8: {  	[sflag:s30] =	ssyncset.done $0x0  }
0xf9: {  	s12 =	sand.u32 $0xFF0, s11;
	[sflag:s30] =	ssyncadd.s32 $0xFFFF8000  }
0xfa: {  	s13 =	simm.s32 $0x10;
	v7 =	vld [tilespmem:s12+$0x2380]  }
0xfb: {  	s6 =	sand.u32 $0xFF0, s13  }
0xfc: {  	v1 =	vld [tilespmem:s6+$0x2380]  }
0xfd: {  	s4 =	simm.s32 $0x20  }
0xfe: {  	s8 =	sand.u32 $0xFF0, s4  }
0xff: {  	v0 =	vld [tilespmem:s8+$0x2380];
	_ =	sdelay $0x2  }
0x100: {  	v2 =	vld.idx.msk [tilespmem:v7+s1+$0x0], $0xffff;
	_ =	sdelay $0x1  }
0x101: {  	v4 =	vld.idx.msk [tilespmem:v1+s1+$0x0], $0xffff  }
0x102: {  	s2 =	sand.u32 $0x7C00, s11;
	s7 =	sand.u32 $0x70, s11  }
0x103: {  	s5 =	sor.u32 s7, s2;
	s9 =	simm.s32 $0x80  }
0x104: {  	s2 =	sand.u32 $0x7C00, s9;
	s3 =	sand.u32 $0x70, s13;
	s6 =	simm.s32 $0x30;
	v6 =	vld.idx.msk [tilespmem:v0+s1+$0x0], $0xffff;
	[tilespmem:s5+$0x8380] =	vst v2  }
0x105: {  	s3 =	sor.u32 s3, s2;
	s11 =	sand.u32 $0xFF0, s6;
	v3 =	vld.idx.msk [tilespmem:v7+s20+$0x0], $0xffff  }
0x106: {  	v2 =	vld [tilespmem:s11+$0x2380];
	[tilespmem:s3+$0x8380] =	vst v4  }
0x107: {  	v5 =	vld.idx.msk [tilespmem:v1+s20+$0x0], $0xffff  }
0x108: {  	s13 =	simm.s32 $0x100  }
0x109: {  	s4 =	sand.u32 $0x70, s4;
	s8 =	sand.u32 $0x7C00, s13  }
0x10a: {  	s2 =	sor.u32 s4, s8;
	[tilespmem:s5+$0x8400] =	vst v3  }
0x10b: {  	[tilespmem:s2+$0x8380] =	vst v6;
	v4 =	vld.idx.msk [tilespmem:v7+s21+$0x0], $0xffff  }
0x10c: {  	s7 =	simm.s32 $0x40;
	v8 =	vld.idx.msk [tilespmem:v0+s20+$0x0], $0xffff;
	[tilespmem:s3+$0x8400] =	vst v5  }
0x10d: {  	s12 =	sand.u32 $0xFF0, s7;
	v6 =	vld.idx.msk [tilespmem:v1+s21+$0x0], $0xffff  }
0x10e: {  	v3 =	vld [tilespmem:s12+$0x2380]  }
0x10f: {  	v9 =	vld.idx.msk [tilespmem:v2+s1+$0x0], $0xffff  }
0x110: {  	s12 =	simm.s32 $0x50;
	[tilespmem:s5+$0x8480] =	vst v4  }
0x111: {  	s11 =	simm.s32 $0x180;
	s9 =	sand.u32 $0xFF0, s12;
	v5 =	vld.idx.msk [tilespmem:v7+s22+$0x0], $0xffff  }
0x112: {  	s6 =	sand.u32 $0x70, s6;
	s4 =	sand.u32 $0x7C00, s11;
	v4 =	vld [tilespmem:s9+$0x2380];
	[tilespmem:s3+$0x8480] =	vst v6  }
0x113: {  	s4 =	sor.u32 s6, s4;
	[tilespmem:s2+$0x8400] =	vst v8;
	v8 =	vld.idx.msk [tilespmem:v1+s22+$0x0], $0xffff  }
0x114: {  	[tilespmem:s4+$0x8380] =	vst v9;
	v9 =	vld.idx.msk [tilespmem:v0+s21+$0x0], $0xffff  }
0x115: {  	v10 =	vld.idx.msk [tilespmem:v2+s20+$0x0], $0xffff  }
0x116: {  	v11 =	vld.idx.msk [tilespmem:v3+s1+$0x0], $0xffff;
	[tilespmem:s5+$0x8500] =	vst v5  }
0x117: {  	s8 =	simm.s32 $0x60;
	v6 =	vld.idx.msk [tilespmem:v7+s23+$0x0], $0xffff  }
0x118: {  	s13 =	sand.u32 $0xFF0, s8;
	s9 =	simm.s32 $0x200;
	[tilespmem:s3+$0x8500] =	vst v8  }
0x119: {  	s7 =	sand.u32 $0x70, s7;
	s6 =	sand.u32 $0x7C00, s9;
	v5 =	vld [tilespmem:s13+$0x2380];
	[tilespmem:s2+$0x8480] =	vst v9  }
0x11a: {  	s6 =	sor.u32 s7, s6;
	v9 =	vld.idx.msk [tilespmem:v1+s23+$0x0], $0xffff;
	[tilespmem:s4+$0x8400] =	vst v10  }
0x11b: {  	v10 =	vld.idx.msk [tilespmem:v0+s22+$0x0], $0xffff;
	[tilespmem:s6+$0x8380] =	vst v11  }
0x11c: {  	v11 =	vld.idx.msk [tilespmem:v2+s21+$0x0], $0xffff;
	[tilespmem:s5+$0x8580] =	vst v6  }
0x11d: {  	v8 =	vld.idx.msk [tilespmem:v7+s24+$0x0], $0xffff  }
0x11e: {  	s9 =	simm.s32 $0x70;
	v12 =	vld.idx.msk [tilespmem:v3+s20+$0x0], $0xffff  }
0x11f: {  	s11 =	sand.u32 $0xFF0, s9;
	v13 =	vld.idx.msk [tilespmem:v4+s1+$0x0], $0xffff  }
0x120: {  	v6 =	vld [tilespmem:s11+$0x2380];
	[tilespmem:s3+$0x8580] =	vst v9  }
0x121: {  	[tilespmem:s2+$0x8500] =	vst v10;
	v17 =	vld.idx.msk [tilespmem:v1+s24+$0x0], $0xffff  }
0x122: {  	s11 =	simm.s32 $0x280;
	v16 =	vld.idx.msk [tilespmem:v0+s23+$0x0], $0xffff;
	[tilespmem:s5+$0x8600] =	vst v8  }
0x123: {  	s12 =	sand.u32 $0x70, s12;
	s13 =	sand.u32 $0x7C00, s11;
	[tilespmem:s4+$0x8480] =	vst v11;
	v14 =	vld.idx.msk [tilespmem:v7+s25+$0x0], $0xffff;
	v7 =	vmov v5  }
0x124: {  	[tilespmem:s6+$0x8400] =	vst v12;
	s7 =	sor.u32 s12, s13;
	v15 =	vld.idx.msk [tilespmem:v2+s22+$0x0], $0xffff  }
0x125: {  	v18 =	vmov v3;
	v20 =	vmov v4;
	v10 =	vmov v2;
	v19 =	vld.idx.msk [tilespmem:v3+s21+$0x0], $0xffff;
	[tilespmem:s7+$0x8380] =	vst v13  }
0x126: {  	v9 =	vmovc v3;
	v12 =	vmovc v0;
	s12 =	simm.s32 $0x80;
	v13 =	vmov v2;
	v21 =	vld.idx.msk [tilespmem:v4+s20+$0x0], $0xffff;
	v11 =	vmov v6;
	v8 =	vmov v4  }
.LBB2_6:
0x127: {  	v22 =	vmovc v2;
	v2 =	vmovc v3;
	v3 =	vmov v4;
	v4 =	vmov v5;
	v5 =	vmov v6  }
0x128: {  	s13 =	sand.u32 $0xFF0, s12;
	p0 =	sne.s32 s12, $0xFF0;
	v23 =	vld.idx.msk [tilespmem:v7+s1+$0x0], $0xffff;
	[tilespmem:s5+$0x8680] =	vst v14;
	s5 =	smov.u32 s3  }
0x129: {  	s3 =	smov.u32 s2;
	s2 =	smov.u32 s4;
	s4 =	smov.u32 s6;
	v6 =	vld [tilespmem:s13+$0x2380];
	[tilespmem:s5+$0x8600] =	vst v17  }
0x12a: {  	s6 =	smov.u32 s7;
	[tilespmem:s3+$0x8580] =	vst v16;
	v14 =	vld.idx.msk [tilespmem:v1+s25+$0x0], $0xffff;
	v1 =	vmovc v0;
	v0 =	vmovc v10;
	v10 =	vmov v9;
	v9 =	vmov v8;
	v8 =	vmov v7  }
.Ltmp2:
0x12b: {  	s11 =	sadd.s32 $0x80, s11;
	v7 =	vmov v11;
	[tilespmem:s2+$0x8500] =	vst v15;
	v17 =	vld.idx.msk [tilespmem:v12+s24+$0x0], $0xffff;
	v12 =	vmov v22;
	(pc) =	sbr.rel @p0 .LBB2_6-.Ltmp2, $4  }
0x12c: {  	s7 =	sand.u32 $0x70, s8;
	s8 =	smov.u32 s9;
	s13 =	sand.u32 $0x7C00, s11;
	[tilespmem:s4+$0x8480] =	vst v19;
	v16 =	vld.idx.msk [tilespmem:v13+s23+$0x0], $0xffff;
	v13 =	vmov v2  }
0x12d: {  	s9 =	smov.u32 s12;
	s7 =	sor.u32 s7, s13;
	[tilespmem:s6+$0x8400] =	vst v21;
	v15 =	vld.idx.msk [tilespmem:v18+s22+$0x0], $0xffff;
	v18 =	vmov v3  }
0x12e: {  	[tilespmem:s7+$0x8380] =	vst v23;
	v19 =	vld.idx.msk [tilespmem:v20+s21+$0x0], $0xffff;
	v11 =	vmov v6;
	v20 =	vmov v4  }
0x12f: {  	s12 =	sadd.s32 $0x10, s12;
	v21 =	vld.idx.msk [tilespmem:v8+s20+$0x0], $0xffff  }
0x130: {  	_ =	sdelay $0x3  }
0x131: {  	v22 =	vld.idx.msk [tilespmem:v7+s1+$0x0], $0xffff  }
0x132: {  	v23 =	vld.idx.msk [tilespmem:v11+s1+$0x0], $0xffff  }
0x133: {  	s11 =	sadd.s32 $0x80, s11  }
0x134: {  	s8 =	sand.u32 $0x70, s8;
	s12 =	sand.u32 $0x7C00, s11;
	s11 =	sadd.s32 $0x80, s11  }
0x135: {  	s9 =	sand.u32 $0x70, s9;
	s8 =	sor.u32 s8, s12;
	s11 =	sand.u32 $0x7C00, s11  }
0x136: {  	s9 =	sor.u32 s9, s11;
	[tilespmem:s8+$0x8380] =	vst v22  }
0x137: {  	[tilespmem:s9+$0x8380] =	vst v23;
	v22 =	vld.idx.msk [tilespmem:v7+s20+$0x0], $0xffff  }
0x138: {  	v23 =	vld.idx.msk [tilespmem:v11+s20+$0x0], $0xffff;
	_ =	sdelay $0x2  }
0x139: {  	[tilespmem:s7+$0x8400] =	vst v21  }
0x13a: {  	v20 =	vld.idx.msk [tilespmem:v20+s21+$0x0], $0xffff;
	[tilespmem:s8+$0x8400] =	vst v22  }
0x13b: {  	[tilespmem:s9+$0x8400] =	vst v23;
	v21 =	vld.idx.msk [tilespmem:v5+s21+$0x0], $0xffff  }
0x13c: {  	[tilespmem:s5+$0x8680] =	vst v14;
	v14 =	vld.idx.msk [tilespmem:v6+s21+$0x0], $0xffff  }
0x13d: {  	[tilespmem:s3+$0x8600] =	vst v17  }
0x13e: {  	[tilespmem:s6+$0x8480] =	vst v19  }
0x13f: {  	v17 =	vld.idx.msk [tilespmem:v18+s22+$0x0], $0xffff;
	[tilespmem:s7+$0x8480] =	vst v20  }
0x140: {  	v18 =	vld.idx.msk [tilespmem:v4+s22+$0x0], $0xffff;
	[tilespmem:s8+$0x8480] =	vst v21  }
0x141: {  	[tilespmem:s9+$0x8480] =	vst v14;
	v19 =	vld.idx.msk [tilespmem:v5+s22+$0x0], $0xffff  }
0x142: {  	[tilespmem:s2+$0x8580] =	vst v16;
	v14 =	vld.idx.msk [tilespmem:v6+s22+$0x0], $0xffff  }
0x143: {  	v1 =	vld.idx.msk [tilespmem:v1+s25+$0x0], $0xffff;
	[tilespmem:s4+$0x8500] =	vst v15  }
0x144: {  	v13 =	vld.idx.msk [tilespmem:v13+s23+$0x0], $0xffff;
	[tilespmem:s6+$0x8500] =	vst v17  }
0x145: {  	v15 =	vld.idx.msk [tilespmem:v3+s23+$0x0], $0xffff;
	[tilespmem:s7+$0x8500] =	vst v18  }
0x146: {  	v16 =	vld.idx.msk [tilespmem:v4+s23+$0x0], $0xffff;
	[tilespmem:s8+$0x8500] =	vst v19  }
0x147: {  	[tilespmem:s9+$0x8500] =	vst v14;
	v17 =	vld.idx.msk [tilespmem:v5+s23+$0x0], $0xffff  }
0x148: {  	[tilespmem:s3+$0x8680] =	vst v1;
	v1 =	vld.idx.msk [tilespmem:v6+s23+$0x0], $0xffff  }
0x149: {  	v12 =	vld.idx.msk [tilespmem:v12+s24+$0x0], $0xffff;
	[tilespmem:s4+$0x8580] =	vst v13  }
0x14a: {  	v2 =	vld.idx.msk [tilespmem:v2+s24+$0x0], $0xffff;
	[tilespmem:s6+$0x8580] =	vst v15  }
0x14b: {  	v3 =	vld.idx.msk [tilespmem:v3+s24+$0x0], $0xffff;
	[tilespmem:s7+$0x8580] =	vst v16  }
0x14c: {  	v4 =	vld.idx.msk [tilespmem:v4+s24+$0x0], $0xffff;
	[tilespmem:s8+$0x8580] =	vst v17  }
0x14d: {  	[tilespmem:s9+$0x8580] =	vst v1;
	v5 =	vld.idx.msk [tilespmem:v5+s24+$0x0], $0xffff  }
0x14e: {  	[tilespmem:s2+$0x8600] =	vst v12;
	v1 =	vld.idx.msk [tilespmem:v6+s24+$0x0], $0xffff  }
0x14f: {  	v0 =	vld.idx.msk [tilespmem:v0+s25+$0x0], $0xffff;
	[tilespmem:s4+$0x8600] =	vst v2  }
0x150: {  	v2 =	vld.idx.msk [tilespmem:v10+s25+$0x0], $0xffff;
	[tilespmem:s6+$0x8600] =	vst v3  }
0x151: {  	v3 =	vld.idx.msk [tilespmem:v9+s25+$0x0], $0xffff;
	[tilespmem:s7+$0x8600] =	vst v4  }
0x152: {  	v4 =	vld.idx.msk [tilespmem:v8+s25+$0x0], $0xffff;
	[tilespmem:s8+$0x8600] =	vst v5  }
0x153: {  	[tilespmem:s9+$0x8600] =	vst v1;
	v5 =	vld.idx.msk [tilespmem:v7+s25+$0x0], $0xffff  }
0x154: {  	[tilespmem:s2+$0x8680] =	vst v0;
	v0 =	vld.idx.msk [tilespmem:v11+s25+$0x0], $0xffff  }
0x155: {  	[tilespmem:s4+$0x8680] =	vst v2  }
0x156: {  	[tilespmem:s6+$0x8680] =	vst v3  }
0x157: {  	[tilespmem:s7+$0x8680] =	vst v4  }
0x158: {  	[tilespmem:s8+$0x8680] =	vst v5  }
0x159: {  	[tilespmem:s9+$0x8680] =	vst v0  }
0x15a: {  	s11 =	simm.s32 $0x0;
	s3 =	rddreg [dreg:$0xd]  }
0x15b: {  	[hbm4b:s3+s11] =	stream.linear.scatter [tilespmem:s28], [sflag:$0x1], $0x8000, $0x38;
	[tilespmem:$0x18380] =	vst v63  }
0x15c: {  	_ =	swait.ge [sflag:s31], $0x8000  }
0x15d: {  	[sflag:s31] =	ssyncset.done $0x0  }
0x15e: {  	s12 =	sand.u32 $0xFF0, s11;
	[sflag:s31] =	ssyncadd.s32 $0xFFFF8000  }
0x15f: {  	s13 =	simm.s32 $0x10;
	v7 =	vld [tilespmem:s12+$0x3380]  }
0x160: {  	s6 =	sand.u32 $0xFF0, s13  }
0x161: {  	v1 =	vld [tilespmem:s6+$0x3380]  }
0x162: {  	s4 =	simm.s32 $0x20  }
0x163: {  	s8 =	sand.u32 $0xFF0, s4  }
0x164: {  	v0 =	vld [tilespmem:s8+$0x3380];
	_ =	sdelay $0x2  }
0x165: {  	v2 =	vld.idx.msk [tilespmem:v7+s1+$0x0], $0xffff;
	_ =	sdelay $0x1  }
0x166: {  	v4 =	vld.idx.msk [tilespmem:v1+s1+$0x0], $0xffff  }
0x167: {  	s2 =	sand.u32 $0x7C00, s11;
	s7 =	sand.u32 $0x70, s11  }
0x168: {  	s5 =	sor.u32 s7, s2;
	s9 =	simm.s32 $0x80  }
0x169: {  	s2 =	sand.u32 $0x7C00, s9;
	s3 =	sand.u32 $0x70, s13;
	s6 =	simm.s32 $0x30;
	v6 =	vld.idx.msk [tilespmem:v0+s1+$0x0], $0xffff;
	[tilespmem:s5+$0x10380] =	vst v2  }
0x16a: {  	s3 =	sor.u32 s3, s2;
	s11 =	sand.u32 $0xFF0, s6;
	v3 =	vld.idx.msk [tilespmem:v7+s20+$0x0], $0xffff  }
0x16b: {  	v2 =	vld [tilespmem:s11+$0x3380];
	[tilespmem:s3+$0x10380] =	vst v4  }
0x16c: {  	v5 =	vld.idx.msk [tilespmem:v1+s20+$0x0], $0xffff  }
0x16d: {  	s13 =	simm.s32 $0x100  }
0x16e: {  	s4 =	sand.u32 $0x70, s4;
	s8 =	sand.u32 $0x7C00, s13  }
0x16f: {  	s2 =	sor.u32 s4, s8;
	[tilespmem:s5+$0x10400] =	vst v3  }
0x170: {  	[tilespmem:s2+$0x10380] =	vst v6;
	v4 =	vld.idx.msk [tilespmem:v7+s21+$0x0], $0xffff  }
0x171: {  	s7 =	simm.s32 $0x40;
	v8 =	vld.idx.msk [tilespmem:v0+s20+$0x0], $0xffff;
	[tilespmem:s3+$0x10400] =	vst v5  }
0x172: {  	s12 =	sand.u32 $0xFF0, s7;
	v6 =	vld.idx.msk [tilespmem:v1+s21+$0x0], $0xffff  }
0x173: {  	v3 =	vld [tilespmem:s12+$0x3380]  }
0x174: {  	v9 =	vld.idx.msk [tilespmem:v2+s1+$0x0], $0xffff  }
0x175: {  	s12 =	simm.s32 $0x50;
	[tilespmem:s5+$0x10480] =	vst v4  }
0x176: {  	s11 =	simm.s32 $0x180;
	s9 =	sand.u32 $0xFF0, s12;
	v5 =	vld.idx.msk [tilespmem:v7+s22+$0x0], $0xffff  }
0x177: {  	s6 =	sand.u32 $0x70, s6;
	s4 =	sand.u32 $0x7C00, s11;
	v4 =	vld [tilespmem:s9+$0x3380];
	[tilespmem:s3+$0x10480] =	vst v6  }
0x178: {  	s4 =	sor.u32 s6, s4;
	[tilespmem:s2+$0x10400] =	vst v8;
	v8 =	vld.idx.msk [tilespmem:v1+s22+$0x0], $0xffff  }
0x179: {  	[tilespmem:s4+$0x10380] =	vst v9;
	v9 =	vld.idx.msk [tilespmem:v0+s21+$0x0], $0xffff  }
0x17a: {  	v10 =	vld.idx.msk [tilespmem:v2+s20+$0x0], $0xffff  }
0x17b: {  	v11 =	vld.idx.msk [tilespmem:v3+s1+$0x0], $0xffff;
	[tilespmem:s5+$0x10500] =	vst v5  }
0x17c: {  	s8 =	simm.s32 $0x60;
	v6 =	vld.idx.msk [tilespmem:v7+s23+$0x0], $0xffff  }
0x17d: {  	s13 =	sand.u32 $0xFF0, s8;
	s9 =	simm.s32 $0x200;
	[tilespmem:s3+$0x10500] =	vst v8  }
0x17e: {  	s7 =	sand.u32 $0x70, s7;
	s6 =	sand.u32 $0x7C00, s9;
	v5 =	vld [tilespmem:s13+$0x3380];
	[tilespmem:s2+$0x10480] =	vst v9  }
0x17f: {  	s6 =	sor.u32 s7, s6;
	v9 =	vld.idx.msk [tilespmem:v1+s23+$0x0], $0xffff;
	[tilespmem:s4+$0x10400] =	vst v10  }
0x180: {  	v10 =	vld.idx.msk [tilespmem:v0+s22+$0x0], $0xffff;
	[tilespmem:s6+$0x10380] =	vst v11  }
0x181: {  	v11 =	vld.idx.msk [tilespmem:v2+s21+$0x0], $0xffff;
	[tilespmem:s5+$0x10580] =	vst v6  }
0x182: {  	v8 =	vld.idx.msk [tilespmem:v7+s24+$0x0], $0xffff  }
0x183: {  	s9 =	simm.s32 $0x70;
	v12 =	vld.idx.msk [tilespmem:v3+s20+$0x0], $0xffff  }
0x184: {  	s11 =	sand.u32 $0xFF0, s9;
	v13 =	vld.idx.msk [tilespmem:v4+s1+$0x0], $0xffff  }
0x185: {  	v6 =	vld [tilespmem:s11+$0x3380];
	[tilespmem:s3+$0x10580] =	vst v9  }
0x186: {  	[tilespmem:s2+$0x10500] =	vst v10;
	v17 =	vld.idx.msk [tilespmem:v1+s24+$0x0], $0xffff  }
0x187: {  	s11 =	simm.s32 $0x280;
	v16 =	vld.idx.msk [tilespmem:v0+s23+$0x0], $0xffff;
	[tilespmem:s5+$0x10600] =	vst v8  }
0x188: {  	s12 =	sand.u32 $0x70, s12;
	s13 =	sand.u32 $0x7C00, s11;
	[tilespmem:s4+$0x10480] =	vst v11;
	v14 =	vld.idx.msk [tilespmem:v7+s25+$0x0], $0xffff;
	v7 =	vmov v5  }
0x189: {  	[tilespmem:s6+$0x10400] =	vst v12;
	s7 =	sor.u32 s12, s13;
	v15 =	vld.idx.msk [tilespmem:v2+s22+$0x0], $0xffff  }
0x18a: {  	v18 =	vmov v3;
	v20 =	vmov v4;
	v10 =	vmov v2;
	v19 =	vld.idx.msk [tilespmem:v3+s21+$0x0], $0xffff;
	[tilespmem:s7+$0x10380] =	vst v13  }
0x18b: {  	v9 =	vmovc v3;
	v12 =	vmovc v0;
	s12 =	simm.s32 $0x80;
	v13 =	vmov v2;
	v21 =	vld.idx.msk [tilespmem:v4+s20+$0x0], $0xffff;
	v11 =	vmov v6;
	v8 =	vmov v4  }
.LBB2_8:
0x18c: {  	v22 =	vmovc v2;
	v2 =	vmovc v3;
	v3 =	vmov v4;
	v4 =	vmov v5;
	v5 =	vmov v6  }
0x18d: {  	s13 =	sand.u32 $0xFF0, s12;
	p0 =	sne.s32 s12, $0xFF0;
	v23 =	vld.idx.msk [tilespmem:v7+s1+$0x0], $0xffff;
	[tilespmem:s5+$0x10680] =	vst v14;
	s5 =	smov.u32 s3  }
0x18e: {  	s3 =	smov.u32 s2;
	s2 =	smov.u32 s4;
	s4 =	smov.u32 s6;
	v6 =	vld [tilespmem:s13+$0x3380];
	[tilespmem:s5+$0x10600] =	vst v17  }
0x18f: {  	s6 =	smov.u32 s7;
	[tilespmem:s3+$0x10580] =	vst v16;
	v14 =	vld.idx.msk [tilespmem:v1+s25+$0x0], $0xffff;
	v1 =	vmovc v0;
	v0 =	vmovc v10;
	v10 =	vmov v9;
	v9 =	vmov v8;
	v8 =	vmov v7  }
.Ltmp3:
0x190: {  	s11 =	sadd.s32 $0x80, s11;
	v7 =	vmov v11;
	[tilespmem:s2+$0x10500] =	vst v15;
	v17 =	vld.idx.msk [tilespmem:v12+s24+$0x0], $0xffff;
	v12 =	vmov v22;
	(pc) =	sbr.rel @p0 .LBB2_8-.Ltmp3, $4  }
0x191: {  	s7 =	sand.u32 $0x70, s8;
	s8 =	smov.u32 s9;
	s13 =	sand.u32 $0x7C00, s11;
	[tilespmem:s4+$0x10480] =	vst v19;
	v16 =	vld.idx.msk [tilespmem:v13+s23+$0x0], $0xffff;
	v13 =	vmov v2  }
0x192: {  	s9 =	smov.u32 s12;
	s7 =	sor.u32 s7, s13;
	[tilespmem:s6+$0x10400] =	vst v21;
	v15 =	vld.idx.msk [tilespmem:v18+s22+$0x0], $0xffff;
	v18 =	vmov v3  }
0x193: {  	[tilespmem:s7+$0x10380] =	vst v23;
	v19 =	vld.idx.msk [tilespmem:v20+s21+$0x0], $0xffff;
	v11 =	vmov v6;
	v20 =	vmov v4  }
0x194: {  	s12 =	sadd.s32 $0x10, s12;
	v21 =	vld.idx.msk [tilespmem:v8+s20+$0x0], $0xffff  }
0x195: {  	_ =	sdelay $0x3  }
0x196: {  	v22 =	vld.idx.msk [tilespmem:v7+s1+$0x0], $0xffff  }
0x197: {  	v23 =	vld.idx.msk [tilespmem:v11+s1+$0x0], $0xffff  }
0x198: {  	s11 =	sadd.s32 $0x80, s11  }
0x199: {  	s8 =	sand.u32 $0x70, s8;
	s12 =	sand.u32 $0x7C00, s11;
	s11 =	sadd.s32 $0x80, s11  }
0x19a: {  	s9 =	sand.u32 $0x70, s9;
	s8 =	sor.u32 s8, s12;
	s11 =	sand.u32 $0x7C00, s11  }
0x19b: {  	s9 =	sor.u32 s9, s11;
	[tilespmem:s8+$0x10380] =	vst v22  }
0x19c: {  	[tilespmem:s9+$0x10380] =	vst v23;
	v22 =	vld.idx.msk [tilespmem:v7+s20+$0x0], $0xffff  }
0x19d: {  	v23 =	vld.idx.msk [tilespmem:v11+s20+$0x0], $0xffff;
	_ =	sdelay $0x2  }
0x19e: {  	[tilespmem:s7+$0x10400] =	vst v21  }
0x19f: {  	v20 =	vld.idx.msk [tilespmem:v20+s21+$0x0], $0xffff;
	[tilespmem:s8+$0x10400] =	vst v22  }
0x1a0: {  	[tilespmem:s9+$0x10400] =	vst v23;
	v21 =	vld.idx.msk [tilespmem:v5+s21+$0x0], $0xffff  }
0x1a1: {  	[tilespmem:s5+$0x10680] =	vst v14;
	v14 =	vld.idx.msk [tilespmem:v6+s21+$0x0], $0xffff  }
0x1a2: {  	[tilespmem:s3+$0x10600] =	vst v17  }
0x1a3: {  	[tilespmem:s6+$0x10480] =	vst v19  }
0x1a4: {  	v17 =	vld.idx.msk [tilespmem:v18+s22+$0x0], $0xffff;
	[tilespmem:s7+$0x10480] =	vst v20  }
0x1a5: {  	v18 =	vld.idx.msk [tilespmem:v4+s22+$0x0], $0xffff;
	[tilespmem:s8+$0x10480] =	vst v21  }
0x1a6: {  	[tilespmem:s9+$0x10480] =	vst v14;
	v19 =	vld.idx.msk [tilespmem:v5+s22+$0x0], $0xffff  }
0x1a7: {  	[tilespmem:s2+$0x10580] =	vst v16;
	v14 =	vld.idx.msk [tilespmem:v6+s22+$0x0], $0xffff  }
0x1a8: {  	v1 =	vld.idx.msk [tilespmem:v1+s25+$0x0], $0xffff;
	[tilespmem:s4+$0x10500] =	vst v15  }
0x1a9: {  	v13 =	vld.idx.msk [tilespmem:v13+s23+$0x0], $0xffff;
	[tilespmem:s6+$0x10500] =	vst v17  }
0x1aa: {  	v15 =	vld.idx.msk [tilespmem:v3+s23+$0x0], $0xffff;
	[tilespmem:s7+$0x10500] =	vst v18  }
0x1ab: {  	v16 =	vld.idx.msk [tilespmem:v4+s23+$0x0], $0xffff;
	[tilespmem:s8+$0x10500] =	vst v19  }
0x1ac: {  	[tilespmem:s9+$0x10500] =	vst v14;
	v17 =	vld.idx.msk [tilespmem:v5+s23+$0x0], $0xffff  }
0x1ad: {  	[tilespmem:s3+$0x10680] =	vst v1;
	v1 =	vld.idx.msk [tilespmem:v6+s23+$0x0], $0xffff  }
0x1ae: {  	v12 =	vld.idx.msk [tilespmem:v12+s24+$0x0], $0xffff;
	[tilespmem:s4+$0x10580] =	vst v13  }
0x1af: {  	v2 =	vld.idx.msk [tilespmem:v2+s24+$0x0], $0xffff;
	[tilespmem:s6+$0x10580] =	vst v15  }
0x1b0: {  	v3 =	vld.idx.msk [tilespmem:v3+s24+$0x0], $0xffff;
	[tilespmem:s7+$0x10580] =	vst v16  }
0x1b1: {  	v4 =	vld.idx.msk [tilespmem:v4+s24+$0x0], $0xffff;
	[tilespmem:s8+$0x10580] =	vst v17  }
0x1b2: {  	[tilespmem:s9+$0x10580] =	vst v1;
	v5 =	vld.idx.msk [tilespmem:v5+s24+$0x0], $0xffff  }
0x1b3: {  	[tilespmem:s2+$0x10600] =	vst v12;
	v1 =	vld.idx.msk [tilespmem:v6+s24+$0x0], $0xffff  }
0x1b4: {  	v0 =	vld.idx.msk [tilespmem:v0+s25+$0x0], $0xffff;
	[tilespmem:s4+$0x10600] =	vst v2  }
0x1b5: {  	v2 =	vld.idx.msk [tilespmem:v10+s25+$0x0], $0xffff;
	[tilespmem:s6+$0x10600] =	vst v3  }
0x1b6: {  	v3 =	vld.idx.msk [tilespmem:v9+s25+$0x0], $0xffff;
	[tilespmem:s7+$0x10600] =	vst v4  }
0x1b7: {  	v4 =	vld.idx.msk [tilespmem:v8+s25+$0x0], $0xffff;
	[tilespmem:s8+$0x10600] =	vst v5  }
0x1b8: {  	[tilespmem:s9+$0x10600] =	vst v1;
	v5 =	vld.idx.msk [tilespmem:v7+s25+$0x0], $0xffff  }
0x1b9: {  	[tilespmem:s2+$0x10680] =	vst v0;
	v0 =	vld.idx.msk [tilespmem:v11+s25+$0x0], $0xffff  }
0x1ba: {  	[tilespmem:s4+$0x10680] =	vst v2  }
0x1bb: {  	[tilespmem:s6+$0x10680] =	vst v3  }
0x1bc: {  	[tilespmem:s7+$0x10680] =	vst v4  }
0x1bd: {  	[tilespmem:s8+$0x10680] =	vst v5  }
0x1be: {  	s11 =	simm.s32 $0x0;
	[tilespmem:s9+$0x10680] =	vst v0  }
0x1bf: {  	[hbm4b:s14+s11] =	stream.linear.scatter [tilespmem:s29], [sflag:$0x2], $0x8000, $0x38;
	[tilespmem:$0x18380] =	vst v63  }
0x1c0: {  	_ =	swait.ge [sflag:s30], $0x8000  }
0x1c1: {  	[sflag:s30] =	ssyncset.done $0x0  }
0x1c2: {  	s12 =	sand.u32 $0xFF0, s11;
	[sflag:s30] =	ssyncadd.s32 $0xFFFF8000  }
0x1c3: {  	s13 =	simm.s32 $0x10;
	v7 =	vld [tilespmem:s12+$0x4380]  }
0x1c4: {  	s6 =	sand.u32 $0xFF0, s13  }
0x1c5: {  	v1 =	vld [tilespmem:s6+$0x4380]  }
0x1c6: {  	s4 =	simm.s32 $0x20  }
0x1c7: {  	s8 =	sand.u32 $0xFF0, s4  }
0x1c8: {  	v0 =	vld [tilespmem:s8+$0x4380];
	_ =	sdelay $0x2  }
0x1c9: {  	v2 =	vld.idx.msk [tilespmem:v7+s1+$0x0], $0xffff;
	_ =	sdelay $0x1  }
0x1ca: {  	v4 =	vld.idx.msk [tilespmem:v1+s1+$0x0], $0xffff  }
0x1cb: {  	s2 =	sand.u32 $0x7C00, s11;
	s7 =	sand.u32 $0x70, s11  }
0x1cc: {  	s5 =	sor.u32 s7, s2;
	s9 =	simm.s32 $0x80  }
0x1cd: {  	s3 =	sand.u32 $0x70, s13;
	s2 =	sand.u32 $0x7C00, s9;
	s6 =	simm.s32 $0x30;
	v6 =	vld.idx.msk [tilespmem:v0+s1+$0x0], $0xffff;
	[tilespmem:s5+$0x8380] =	vst v2  }
0x1ce: {  	s3 =	sor.u32 s3, s2;
	s11 =	sand.u32 $0xFF0, s6;
	v3 =	vld.idx.msk [tilespmem:v7+s20+$0x0], $0xffff  }
0x1cf: {  	v2 =	vld [tilespmem:s11+$0x4380];
	[tilespmem:s3+$0x8380] =	vst v4  }
0x1d0: {  	v5 =	vld.idx.msk [tilespmem:v1+s20+$0x0], $0xffff  }
0x1d1: {  	s13 =	simm.s32 $0x100  }
0x1d2: {  	s4 =	sand.u32 $0x70, s4;
	s8 =	sand.u32 $0x7C00, s13  }
0x1d3: {  	s2 =	sor.u32 s4, s8;
	[tilespmem:s5+$0x8400] =	vst v3  }
0x1d4: {  	[tilespmem:s2+$0x8380] =	vst v6;
	v4 =	vld.idx.msk [tilespmem:v7+s21+$0x0], $0xffff  }
0x1d5: {  	s7 =	simm.s32 $0x40;
	v8 =	vld.idx.msk [tilespmem:v0+s20+$0x0], $0xffff;
	[tilespmem:s3+$0x8400] =	vst v5  }
0x1d6: {  	s12 =	sand.u32 $0xFF0, s7;
	v6 =	vld.idx.msk [tilespmem:v1+s21+$0x0], $0xffff  }
0x1d7: {  	v3 =	vld [tilespmem:s12+$0x4380]  }
0x1d8: {  	v9 =	vld.idx.msk [tilespmem:v2+s1+$0x0], $0xffff  }
0x1d9: {  	s12 =	simm.s32 $0x50;
	[tilespmem:s5+$0x8480] =	vst v4  }
0x1da: {  	s11 =	simm.s32 $0x180;
	s9 =	sand.u32 $0xFF0, s12;
	v5 =	vld.idx.msk [tilespmem:v7+s22+$0x0], $0xffff  }
0x1db: {  	s6 =	sand.u32 $0x70, s6;
	s4 =	sand.u32 $0x7C00, s11;
	v4 =	vld [tilespmem:s9+$0x4380];
	[tilespmem:s3+$0x8480] =	vst v6  }
0x1dc: {  	s4 =	sor.u32 s6, s4;
	[tilespmem:s2+$0x8400] =	vst v8;
	v8 =	vld.idx.msk [tilespmem:v1+s22+$0x0], $0xffff  }
0x1dd: {  	[tilespmem:s4+$0x8380] =	vst v9;
	v9 =	vld.idx.msk [tilespmem:v0+s21+$0x0], $0xffff  }
0x1de: {  	v10 =	vld.idx.msk [tilespmem:v2+s20+$0x0], $0xffff  }
0x1df: {  	v11 =	vld.idx.msk [tilespmem:v3+s1+$0x0], $0xffff;
	[tilespmem:s5+$0x8500] =	vst v5  }
0x1e0: {  	s8 =	simm.s32 $0x60;
	v6 =	vld.idx.msk [tilespmem:v7+s23+$0x0], $0xffff  }
0x1e1: {  	s13 =	sand.u32 $0xFF0, s8;
	s9 =	simm.s32 $0x200;
	[tilespmem:s3+$0x8500] =	vst v8  }
0x1e2: {  	s7 =	sand.u32 $0x70, s7;
	s6 =	sand.u32 $0x7C00, s9;
	v5 =	vld [tilespmem:s13+$0x4380];
	[tilespmem:s2+$0x8480] =	vst v9  }
0x1e3: {  	s6 =	sor.u32 s7, s6;
	v9 =	vld.idx.msk [tilespmem:v1+s23+$0x0], $0xffff;
	[tilespmem:s4+$0x8400] =	vst v10  }
0x1e4: {  	v10 =	vld.idx.msk [tilespmem:v0+s22+$0x0], $0xffff;
	[tilespmem:s6+$0x8380] =	vst v11  }
0x1e5: {  	v11 =	vld.idx.msk [tilespmem:v2+s21+$0x0], $0xffff;
	[tilespmem:s5+$0x8580] =	vst v6  }
0x1e6: {  	v8 =	vld.idx.msk [tilespmem:v7+s24+$0x0], $0xffff  }
0x1e7: {  	s9 =	simm.s32 $0x70;
	v12 =	vld.idx.msk [tilespmem:v3+s20+$0x0], $0xffff  }
0x1e8: {  	s11 =	sand.u32 $0xFF0, s9;
	v13 =	vld.idx.msk [tilespmem:v4+s1+$0x0], $0xffff  }
0x1e9: {  	v6 =	vld [tilespmem:s11+$0x4380];
	[tilespmem:s3+$0x8580] =	vst v9  }
0x1ea: {  	[tilespmem:s2+$0x8500] =	vst v10;
	v17 =	vld.idx.msk [tilespmem:v1+s24+$0x0], $0xffff  }
0x1eb: {  	s11 =	simm.s32 $0x280;
	v16 =	vld.idx.msk [tilespmem:v0+s23+$0x0], $0xffff;
	[tilespmem:s5+$0x8600] =	vst v8  }
0x1ec: {  	s12 =	sand.u32 $0x70, s12;
	s13 =	sand.u32 $0x7C00, s11;
	[tilespmem:s4+$0x8480] =	vst v11;
	v14 =	vld.idx.msk [tilespmem:v7+s25+$0x0], $0xffff;
	v7 =	vmov v5  }
0x1ed: {  	[tilespmem:s6+$0x8400] =	vst v12;
	s7 =	sor.u32 s12, s13;
	v15 =	vld.idx.msk [tilespmem:v2+s22+$0x0], $0xffff  }
0x1ee: {  	v18 =	vmov v3;
	v20 =	vmov v4;
	v10 =	vmov v2;
	v19 =	vld.idx.msk [tilespmem:v3+s21+$0x0], $0xffff;
	[tilespmem:s7+$0x8380] =	vst v13  }
0x1ef: {  	v9 =	vmovc v3;
	v12 =	vmovc v0;
	s12 =	simm.s32 $0x80;
	v13 =	vmov v2;
	v21 =	vld.idx.msk [tilespmem:v4+s20+$0x0], $0xffff;
	v11 =	vmov v6;
	v8 =	vmov v4  }
.LBB2_10:
0x1f0: {  	v22 =	vmovc v2;
	v2 =	vmovc v3;
	v3 =	vmov v4;
	v4 =	vmov v5;
	v5 =	vmov v6  }
0x1f1: {  	s13 =	sand.u32 $0xFF0, s12;
	p0 =	sne.s32 s12, $0xFF0;
	v23 =	vld.idx.msk [tilespmem:v7+s1+$0x0], $0xffff;
	[tilespmem:s5+$0x8680] =	vst v14;
	s5 =	smov.u32 s3  }
0x1f2: {  	s3 =	smov.u32 s2;
	s2 =	smov.u32 s4;
	s4 =	smov.u32 s6;
	v6 =	vld [tilespmem:s13+$0x4380];
	[tilespmem:s5+$0x8600] =	vst v17  }
0x1f3: {  	s6 =	smov.u32 s7;
	[tilespmem:s3+$0x8580] =	vst v16;
	v14 =	vld.idx.msk [tilespmem:v1+s25+$0x0], $0xffff;
	v1 =	vmovc v0;
	v0 =	vmovc v10;
	v10 =	vmov v9;
	v9 =	vmov v8;
	v8 =	vmov v7  }
.Ltmp4:
0x1f4: {  	s11 =	sadd.s32 $0x80, s11;
	v7 =	vmov v11;
	[tilespmem:s2+$0x8500] =	vst v15;
	v17 =	vld.idx.msk [tilespmem:v12+s24+$0x0], $0xffff;
	v12 =	vmov v22;
	(pc) =	sbr.rel @p0 .LBB2_10-.Ltmp4, $4  }
0x1f5: {  	s7 =	sand.u32 $0x70, s8;
	s8 =	smov.u32 s9;
	s13 =	sand.u32 $0x7C00, s11;
	[tilespmem:s4+$0x8480] =	vst v19;
	v16 =	vld.idx.msk [tilespmem:v13+s23+$0x0], $0xffff;
	v13 =	vmov v2  }
0x1f6: {  	s9 =	smov.u32 s12;
	s7 =	sor.u32 s7, s13;
	[tilespmem:s6+$0x8400] =	vst v21;
	v15 =	vld.idx.msk [tilespmem:v18+s22+$0x0], $0xffff;
	v18 =	vmov v3  }
0x1f7: {  	[tilespmem:s7+$0x8380] =	vst v23;
	v19 =	vld.idx.msk [tilespmem:v20+s21+$0x0], $0xffff;
	v11 =	vmov v6;
	v20 =	vmov v4  }
0x1f8: {  	s12 =	sadd.s32 $0x10, s12;
	v21 =	vld.idx.msk [tilespmem:v8+s20+$0x0], $0xffff  }
0x1f9: {  	_ =	sdelay $0x3  }
0x1fa: {  	v22 =	vld.idx.msk [tilespmem:v7+s1+$0x0], $0xffff  }
0x1fb: {  	v23 =	vld.idx.msk [tilespmem:v11+s1+$0x0], $0xffff  }
0x1fc: {  	s11 =	sadd.s32 $0x80, s11  }
0x1fd: {  	s8 =	sand.u32 $0x70, s8;
	s12 =	sand.u32 $0x7C00, s11;
	s11 =	sadd.s32 $0x80, s11  }
0x1fe: {  	s9 =	sand.u32 $0x70, s9;
	s8 =	sor.u32 s8, s12;
	s11 =	sand.u32 $0x7C00, s11  }
0x1ff: {  	s9 =	sor.u32 s9, s11;
	[tilespmem:s8+$0x8380] =	vst v22  }
0x200: {  	[tilespmem:s9+$0x8380] =	vst v23;
	v22 =	vld.idx.msk [tilespmem:v7+s20+$0x0], $0xffff  }
0x201: {  	v23 =	vld.idx.msk [tilespmem:v11+s20+$0x0], $0xffff;
	_ =	sdelay $0x2  }
0x202: {  	[tilespmem:s7+$0x8400] =	vst v21  }
0x203: {  	v20 =	vld.idx.msk [tilespmem:v20+s21+$0x0], $0xffff;
	[tilespmem:s8+$0x8400] =	vst v22  }
0x204: {  	[tilespmem:s9+$0x8400] =	vst v23;
	v21 =	vld.idx.msk [tilespmem:v5+s21+$0x0], $0xffff  }
0x205: {  	[tilespmem:s5+$0x8680] =	vst v14;
	v14 =	vld.idx.msk [tilespmem:v6+s21+$0x0], $0xffff  }
0x206: {  	[tilespmem:s3+$0x8600] =	vst v17  }
0x207: {  	[tilespmem:s6+$0x8480] =	vst v19  }
0x208: {  	v17 =	vld.idx.msk [tilespmem:v18+s22+$0x0], $0xffff;
	[tilespmem:s7+$0x8480] =	vst v20  }
0x209: {  	v18 =	vld.idx.msk [tilespmem:v4+s22+$0x0], $0xffff;
	[tilespmem:s8+$0x8480] =	vst v21  }
0x20a: {  	[tilespmem:s9+$0x8480] =	vst v14;
	v19 =	vld.idx.msk [tilespmem:v5+s22+$0x0], $0xffff  }
0x20b: {  	[tilespmem:s2+$0x8580] =	vst v16;
	v14 =	vld.idx.msk [tilespmem:v6+s22+$0x0], $0xffff  }
0x20c: {  	v1 =	vld.idx.msk [tilespmem:v1+s25+$0x0], $0xffff;
	[tilespmem:s4+$0x8500] =	vst v15  }
0x20d: {  	v13 =	vld.idx.msk [tilespmem:v13+s23+$0x0], $0xffff;
	[tilespmem:s6+$0x8500] =	vst v17  }
0x20e: {  	v15 =	vld.idx.msk [tilespmem:v3+s23+$0x0], $0xffff;
	[tilespmem:s7+$0x8500] =	vst v18  }
0x20f: {  	v16 =	vld.idx.msk [tilespmem:v4+s23+$0x0], $0xffff;
	[tilespmem:s8+$0x8500] =	vst v19  }
0x210: {  	[tilespmem:s9+$0x8500] =	vst v14;
	v17 =	vld.idx.msk [tilespmem:v5+s23+$0x0], $0xffff  }
0x211: {  	[tilespmem:s3+$0x8680] =	vst v1;
	v1 =	vld.idx.msk [tilespmem:v6+s23+$0x0], $0xffff  }
0x212: {  	v12 =	vld.idx.msk [tilespmem:v12+s24+$0x0], $0xffff;
	[tilespmem:s4+$0x8580] =	vst v13  }
0x213: {  	v2 =	vld.idx.msk [tilespmem:v2+s24+$0x0], $0xffff;
	[tilespmem:s6+$0x8580] =	vst v15  }
0x214: {  	v3 =	vld.idx.msk [tilespmem:v3+s24+$0x0], $0xffff;
	[tilespmem:s7+$0x8580] =	vst v16  }
0x215: {  	v4 =	vld.idx.msk [tilespmem:v4+s24+$0x0], $0xffff;
	[tilespmem:s8+$0x8580] =	vst v17  }
0x216: {  	[tilespmem:s9+$0x8580] =	vst v1;
	v5 =	vld.idx.msk [tilespmem:v5+s24+$0x0], $0xffff  }
0x217: {  	[tilespmem:s2+$0x8600] =	vst v12;
	v1 =	vld.idx.msk [tilespmem:v6+s24+$0x0], $0xffff  }
0x218: {  	v0 =	vld.idx.msk [tilespmem:v0+s25+$0x0], $0xffff;
	[tilespmem:s4+$0x8600] =	vst v2  }
0x219: {  	v2 =	vld.idx.msk [tilespmem:v10+s25+$0x0], $0xffff;
	[tilespmem:s6+$0x8600] =	vst v3  }
0x21a: {  	v3 =	vld.idx.msk [tilespmem:v9+s25+$0x0], $0xffff;
	[tilespmem:s7+$0x8600] =	vst v4  }
0x21b: {  	v4 =	vld.idx.msk [tilespmem:v8+s25+$0x0], $0xffff;
	[tilespmem:s8+$0x8600] =	vst v5  }
0x21c: {  	[tilespmem:s9+$0x8600] =	vst v1;
	v5 =	vld.idx.msk [tilespmem:v7+s25+$0x0], $0xffff  }
0x21d: {  	[tilespmem:s2+$0x8680] =	vst v0;
	v0 =	vld.idx.msk [tilespmem:v11+s25+$0x0], $0xffff  }
0x21e: {  	[tilespmem:s4+$0x8680] =	vst v2  }
0x21f: {  	[tilespmem:s6+$0x8680] =	vst v3  }
0x220: {  	[tilespmem:s7+$0x8680] =	vst v4  }
0x221: {  	[tilespmem:s8+$0x8680] =	vst v5  }
0x222: {  	s11 =	simm.s32 $0x0;
	[tilespmem:s9+$0x8680] =	vst v0  }
0x223: {  	[hbm4b:s15+s11] =	stream.linear.scatter [tilespmem:s28], [sflag:$0x1], $0x8000, $0x38;
	[tilespmem:$0x18380] =	vst v63  }
0x224: {  	_ =	swait.ge [sflag:s31], $0x8000  }
0x225: {  	[sflag:s31] =	ssyncset.done $0x0  }
0x226: {  	s12 =	sand.u32 $0xFF0, s11;
	[sflag:s31] =	ssyncadd.s32 $0xFFFF8000  }
0x227: {  	s13 =	simm.s32 $0x10;
	v7 =	vld [tilespmem:s12+$0x5380]  }
0x228: {  	s6 =	sand.u32 $0xFF0, s13  }
0x229: {  	v1 =	vld [tilespmem:s6+$0x5380]  }
0x22a: {  	s4 =	simm.s32 $0x20  }
0x22b: {  	s8 =	sand.u32 $0xFF0, s4  }
0x22c: {  	v0 =	vld [tilespmem:s8+$0x5380];
	_ =	sdelay $0x2  }
0x22d: {  	v2 =	vld.idx.msk [tilespmem:v7+s1+$0x0], $0xffff;
	_ =	sdelay $0x1  }
0x22e: {  	v4 =	vld.idx.msk [tilespmem:v1+s1+$0x0], $0xffff  }
0x22f: {  	s2 =	sand.u32 $0x7C00, s11;
	s7 =	sand.u32 $0x70, s11  }
0x230: {  	s5 =	sor.u32 s7, s2;
	s9 =	simm.s32 $0x80  }
0x231: {  	s3 =	sand.u32 $0x70, s13;
	s2 =	sand.u32 $0x7C00, s9;
	s6 =	simm.s32 $0x30;
	v6 =	vld.idx.msk [tilespmem:v0+s1+$0x0], $0xffff;
	[tilespmem:s5+$0x10380] =	vst v2  }
0x232: {  	s3 =	sor.u32 s3, s2;
	s11 =	sand.u32 $0xFF0, s6;
	v3 =	vld.idx.msk [tilespmem:v7+s20+$0x0], $0xffff  }
0x233: {  	v2 =	vld [tilespmem:s11+$0x5380];
	[tilespmem:s3+$0x10380] =	vst v4  }
0x234: {  	v5 =	vld.idx.msk [tilespmem:v1+s20+$0x0], $0xffff  }
0x235: {  	s13 =	simm.s32 $0x100  }
0x236: {  	s4 =	sand.u32 $0x70, s4;
	s8 =	sand.u32 $0x7C00, s13  }
0x237: {  	s2 =	sor.u32 s4, s8;
	[tilespmem:s5+$0x10400] =	vst v3  }
0x238: {  	[tilespmem:s2+$0x10380] =	vst v6;
	v4 =	vld.idx.msk [tilespmem:v7+s21+$0x0], $0xffff  }
0x239: {  	s7 =	simm.s32 $0x40;
	v8 =	vld.idx.msk [tilespmem:v0+s20+$0x0], $0xffff;
	[tilespmem:s3+$0x10400] =	vst v5  }
0x23a: {  	s12 =	sand.u32 $0xFF0, s7;
	v6 =	vld.idx.msk [tilespmem:v1+s21+$0x0], $0xffff  }
0x23b: {  	v3 =	vld [tilespmem:s12+$0x5380]  }
0x23c: {  	v9 =	vld.idx.msk [tilespmem:v2+s1+$0x0], $0xffff  }
0x23d: {  	s12 =	simm.s32 $0x50;
	[tilespmem:s5+$0x10480] =	vst v4  }
0x23e: {  	s11 =	simm.s32 $0x180;
	s9 =	sand.u32 $0xFF0, s12;
	v5 =	vld.idx.msk [tilespmem:v7+s22+$0x0], $0xffff  }
0x23f: {  	s6 =	sand.u32 $0x70, s6;
	s4 =	sand.u32 $0x7C00, s11;
	v4 =	vld [tilespmem:s9+$0x5380];
	[tilespmem:s3+$0x10480] =	vst v6  }
0x240: {  	s4 =	sor.u32 s6, s4;
	[tilespmem:s2+$0x10400] =	vst v8;
	v8 =	vld.idx.msk [tilespmem:v1+s22+$0x0], $0xffff  }
0x241: {  	[tilespmem:s4+$0x10380] =	vst v9;
	v9 =	vld.idx.msk [tilespmem:v0+s21+$0x0], $0xffff  }
0x242: {  	v10 =	vld.idx.msk [tilespmem:v2+s20+$0x0], $0xffff  }
0x243: {  	v11 =	vld.idx.msk [tilespmem:v3+s1+$0x0], $0xffff;
	[tilespmem:s5+$0x10500] =	vst v5  }
0x244: {  	s8 =	simm.s32 $0x60;
	v6 =	vld.idx.msk [tilespmem:v7+s23+$0x0], $0xffff  }
0x245: {  	s13 =	sand.u32 $0xFF0, s8;
	s9 =	simm.s32 $0x200;
	[tilespmem:s3+$0x10500] =	vst v8  }
0x246: {  	s7 =	sand.u32 $0x70, s7;
	s6 =	sand.u32 $0x7C00, s9;
	v5 =	vld [tilespmem:s13+$0x5380];
	[tilespmem:s2+$0x10480] =	vst v9  }
0x247: {  	s6 =	sor.u32 s7, s6;
	v9 =	vld.idx.msk [tilespmem:v1+s23+$0x0], $0xffff;
	[tilespmem:s4+$0x10400] =	vst v10  }
0x248: {  	v10 =	vld.idx.msk [tilespmem:v0+s22+$0x0], $0xffff;
	[tilespmem:s6+$0x10380] =	vst v11  }
0x249: {  	v11 =	vld.idx.msk [tilespmem:v2+s21+$0x0], $0xffff;
	[tilespmem:s5+$0x10580] =	vst v6  }
0x24a: {  	v8 =	vld.idx.msk [tilespmem:v7+s24+$0x0], $0xffff  }
0x24b: {  	s9 =	simm.s32 $0x70;
	v12 =	vld.idx.msk [tilespmem:v3+s20+$0x0], $0xffff  }
0x24c: {  	s11 =	sand.u32 $0xFF0, s9;
	v13 =	vld.idx.msk [tilespmem:v4+s1+$0x0], $0xffff  }
0x24d: {  	v6 =	vld [tilespmem:s11+$0x5380];
	[tilespmem:s3+$0x10580] =	vst v9  }
0x24e: {  	[tilespmem:s2+$0x10500] =	vst v10;
	v17 =	vld.idx.msk [tilespmem:v1+s24+$0x0], $0xffff  }
0x24f: {  	s11 =	simm.s32 $0x280;
	v16 =	vld.idx.msk [tilespmem:v0+s23+$0x0], $0xffff;
	[tilespmem:s5+$0x10600] =	vst v8  }
0x250: {  	s12 =	sand.u32 $0x70, s12;
	s13 =	sand.u32 $0x7C00, s11;
	[tilespmem:s4+$0x10480] =	vst v11;
	v14 =	vld.idx.msk [tilespmem:v7+s25+$0x0], $0xffff;
	v7 =	vmov v5  }
0x251: {  	[tilespmem:s6+$0x10400] =	vst v12;
	s7 =	sor.u32 s12, s13;
	v15 =	vld.idx.msk [tilespmem:v2+s22+$0x0], $0xffff  }
0x252: {  	v18 =	vmov v3;
	v20 =	vmov v4;
	v10 =	vmov v2;
	v19 =	vld.idx.msk [tilespmem:v3+s21+$0x0], $0xffff;
	[tilespmem:s7+$0x10380] =	vst v13  }
0x253: {  	v9 =	vmovc v3;
	v12 =	vmovc v0;
	s12 =	simm.s32 $0x80;
	v13 =	vmov v2;
	v21 =	vld.idx.msk [tilespmem:v4+s20+$0x0], $0xffff;
	v11 =	vmov v6;
	v8 =	vmov v4  }
.LBB2_12:
0x254: {  	v22 =	vmovc v2;
	v2 =	vmovc v3;
	v3 =	vmov v4;
	v4 =	vmov v5;
	v5 =	vmov v6  }
0x255: {  	s13 =	sand.u32 $0xFF0, s12;
	p0 =	sne.s32 s12, $0xFF0;
	v23 =	vld.idx.msk [tilespmem:v7+s1+$0x0], $0xffff;
	[tilespmem:s5+$0x10680] =	vst v14;
	s5 =	smov.u32 s3  }
0x256: {  	s3 =	smov.u32 s2;
	s2 =	smov.u32 s4;
	s4 =	smov.u32 s6;
	v6 =	vld [tilespmem:s13+$0x5380];
	[tilespmem:s5+$0x10600] =	vst v17  }
0x257: {  	s6 =	smov.u32 s7;
	[tilespmem:s3+$0x10580] =	vst v16;
	v14 =	vld.idx.msk [tilespmem:v1+s25+$0x0], $0xffff;
	v1 =	vmovc v0;
	v0 =	vmovc v10;
	v10 =	vmov v9;
	v9 =	vmov v8;
	v8 =	vmov v7  }
.Ltmp5:
0x258: {  	s11 =	sadd.s32 $0x80, s11;
	v7 =	vmov v11;
	[tilespmem:s2+$0x10500] =	vst v15;
	v17 =	vld.idx.msk [tilespmem:v12+s24+$0x0], $0xffff;
	v12 =	vmov v22;
	(pc) =	sbr.rel @p0 .LBB2_12-.Ltmp5, $4  }
0x259: {  	s7 =	sand.u32 $0x70, s8;
	s8 =	smov.u32 s9;
	s13 =	sand.u32 $0x7C00, s11;
	[tilespmem:s4+$0x10480] =	vst v19;
	v16 =	vld.idx.msk [tilespmem:v13+s23+$0x0], $0xffff;
	v13 =	vmov v2  }
0x25a: {  	s9 =	smov.u32 s12;
	s7 =	sor.u32 s7, s13;
	[tilespmem:s6+$0x10400] =	vst v21;
	v15 =	vld.idx.msk [tilespmem:v18+s22+$0x0], $0xffff;
	v18 =	vmov v3  }
0x25b: {  	[tilespmem:s7+$0x10380] =	vst v23;
	v19 =	vld.idx.msk [tilespmem:v20+s21+$0x0], $0xffff;
	v11 =	vmov v6;
	v20 =	vmov v4  }
0x25c: {  	s12 =	sadd.s32 $0x10, s12;
	v21 =	vld.idx.msk [tilespmem:v8+s20+$0x0], $0xffff  }
0x25d: {  	_ =	sdelay $0x3  }
0x25e: {  	v22 =	vld.idx.msk [tilespmem:v7+s1+$0x0], $0xffff  }
0x25f: {  	v23 =	vld.idx.msk [tilespmem:v11+s1+$0x0], $0xffff  }
0x260: {  	s11 =	sadd.s32 $0x80, s11  }
0x261: {  	s8 =	sand.u32 $0x70, s8;
	s12 =	sand.u32 $0x7C00, s11;
	s11 =	sadd.s32 $0x80, s11  }
0x262: {  	s9 =	sand.u32 $0x70, s9;
	s8 =	sor.u32 s8, s12;
	s11 =	sand.u32 $0x7C00, s11  }
0x263: {  	s9 =	sor.u32 s9, s11;
	[tilespmem:s8+$0x10380] =	vst v22  }
0x264: {  	[tilespmem:s9+$0x10380] =	vst v23;
	v22 =	vld.idx.msk [tilespmem:v7+s20+$0x0], $0xffff  }
0x265: {  	v23 =	vld.idx.msk [tilespmem:v11+s20+$0x0], $0xffff;
	_ =	sdelay $0x2  }
0x266: {  	[tilespmem:s7+$0x10400] =	vst v21  }
0x267: {  	v20 =	vld.idx.msk [tilespmem:v20+s21+$0x0], $0xffff;
	[tilespmem:s8+$0x10400] =	vst v22  }
0x268: {  	[tilespmem:s9+$0x10400] =	vst v23;
	v21 =	vld.idx.msk [tilespmem:v5+s21+$0x0], $0xffff  }
0x269: {  	[tilespmem:s5+$0x10680] =	vst v14;
	v14 =	vld.idx.msk [tilespmem:v6+s21+$0x0], $0xffff  }
0x26a: {  	[tilespmem:s3+$0x10600] =	vst v17  }
0x26b: {  	[tilespmem:s6+$0x10480] =	vst v19  }
0x26c: {  	v17 =	vld.idx.msk [tilespmem:v18+s22+$0x0], $0xffff;
	[tilespmem:s7+$0x10480] =	vst v20  }
0x26d: {  	v18 =	vld.idx.msk [tilespmem:v4+s22+$0x0], $0xffff;
	[tilespmem:s8+$0x10480] =	vst v21  }
0x26e: {  	[tilespmem:s9+$0x10480] =	vst v14;
	v19 =	vld.idx.msk [tilespmem:v5+s22+$0x0], $0xffff  }
0x26f: {  	[tilespmem:s2+$0x10580] =	vst v16;
	v14 =	vld.idx.msk [tilespmem:v6+s22+$0x0], $0xffff  }
0x270: {  	v1 =	vld.idx.msk [tilespmem:v1+s25+$0x0], $0xffff;
	[tilespmem:s4+$0x10500] =	vst v15  }
0x271: {  	v13 =	vld.idx.msk [tilespmem:v13+s23+$0x0], $0xffff;
	[tilespmem:s6+$0x10500] =	vst v17  }
0x272: {  	v15 =	vld.idx.msk [tilespmem:v3+s23+$0x0], $0xffff;
	[tilespmem:s7+$0x10500] =	vst v18  }
0x273: {  	v16 =	vld.idx.msk [tilespmem:v4+s23+$0x0], $0xffff;
	[tilespmem:s8+$0x10500] =	vst v19  }
0x274: {  	[tilespmem:s9+$0x10500] =	vst v14;
	v17 =	vld.idx.msk [tilespmem:v5+s23+$0x0], $0xffff  }
0x275: {  	[tilespmem:s3+$0x10680] =	vst v1;
	v1 =	vld.idx.msk [tilespmem:v6+s23+$0x0], $0xffff  }
0x276: {  	v12 =	vld.idx.msk [tilespmem:v12+s24+$0x0], $0xffff;
	[tilespmem:s4+$0x10580] =	vst v13  }
0x277: {  	v2 =	vld.idx.msk [tilespmem:v2+s24+$0x0], $0xffff;
	[tilespmem:s6+$0x10580] =	vst v15  }
0x278: {  	v3 =	vld.idx.msk [tilespmem:v3+s24+$0x0], $0xffff;
	[tilespmem:s7+$0x10580] =	vst v16  }
0x279: {  	v4 =	vld.idx.msk [tilespmem:v4+s24+$0x0], $0xffff;
	[tilespmem:s8+$0x10580] =	vst v17  }
0x27a: {  	[tilespmem:s9+$0x10580] =	vst v1;
	v5 =	vld.idx.msk [tilespmem:v5+s24+$0x0], $0xffff  }
0x27b: {  	[tilespmem:s2+$0x10600] =	vst v12;
	v1 =	vld.idx.msk [tilespmem:v6+s24+$0x0], $0xffff  }
0x27c: {  	v0 =	vld.idx.msk [tilespmem:v0+s25+$0x0], $0xffff;
	[tilespmem:s4+$0x10600] =	vst v2  }
0x27d: {  	v2 =	vld.idx.msk [tilespmem:v10+s25+$0x0], $0xffff;
	[tilespmem:s6+$0x10600] =	vst v3  }
0x27e: {  	v3 =	vld.idx.msk [tilespmem:v9+s25+$0x0], $0xffff;
	[tilespmem:s7+$0x10600] =	vst v4  }
0x27f: {  	v4 =	vld.idx.msk [tilespmem:v8+s25+$0x0], $0xffff;
	[tilespmem:s8+$0x10600] =	vst v5  }
0x280: {  	[tilespmem:s9+$0x10600] =	vst v1;
	v5 =	vld.idx.msk [tilespmem:v7+s25+$0x0], $0xffff  }
0x281: {  	[tilespmem:s2+$0x10680] =	vst v0;
	v0 =	vld.idx.msk [tilespmem:v11+s25+$0x0], $0xffff  }
0x282: {  	[tilespmem:s4+$0x10680] =	vst v2  }
0x283: {  	[tilespmem:s6+$0x10680] =	vst v3  }
0x284: {  	[tilespmem:s7+$0x10680] =	vst v4  }
0x285: {  	[tilespmem:s8+$0x10680] =	vst v5  }
0x286: {  	s11 =	simm.s32 $0x0;
	[tilespmem:s9+$0x10680] =	vst v0  }
0x287: {  	[hbm4b:s16+s11] =	stream.linear.scatter [tilespmem:s29], [sflag:$0x2], $0x8000, $0x38;
	[tilespmem:$0x18380] =	vst v63  }
0x288: {  	_ =	swait.ge [sflag:s30], $0x8000  }
0x289: {  	[sflag:s30] =	ssyncset.done $0x0  }
0x28a: {  	s12 =	sand.u32 $0xFF0, s11;
	[sflag:s30] =	ssyncadd.s32 $0xFFFF8000  }
0x28b: {  	s13 =	simm.s32 $0x10;
	v7 =	vld [tilespmem:s12+$0x6380]  }
0x28c: {  	s6 =	sand.u32 $0xFF0, s13  }
0x28d: {  	v1 =	vld [tilespmem:s6+$0x6380]  }
0x28e: {  	s4 =	simm.s32 $0x20  }
0x28f: {  	s8 =	sand.u32 $0xFF0, s4  }
0x290: {  	v0 =	vld [tilespmem:s8+$0x6380];
	_ =	sdelay $0x2  }
0x291: {  	v2 =	vld.idx.msk [tilespmem:v7+s1+$0x0], $0xffff;
	_ =	sdelay $0x1  }
0x292: {  	v4 =	vld.idx.msk [tilespmem:v1+s1+$0x0], $0xffff  }
0x293: {  	s2 =	sand.u32 $0x7C00, s11;
	s7 =	sand.u32 $0x70, s11  }
0x294: {  	s5 =	sor.u32 s7, s2;
	s9 =	simm.s32 $0x80  }
0x295: {  	s3 =	sand.u32 $0x70, s13;
	s2 =	sand.u32 $0x7C00, s9;
	s6 =	simm.s32 $0x30;
	v6 =	vld.idx.msk [tilespmem:v0+s1+$0x0], $0xffff;
	[tilespmem:s5+$0x8380] =	vst v2  }
0x296: {  	s3 =	sor.u32 s3, s2;
	s11 =	sand.u32 $0xFF0, s6;
	v3 =	vld.idx.msk [tilespmem:v7+s20+$0x0], $0xffff  }
0x297: {  	v2 =	vld [tilespmem:s11+$0x6380];
	[tilespmem:s3+$0x8380] =	vst v4  }
0x298: {  	v5 =	vld.idx.msk [tilespmem:v1+s20+$0x0], $0xffff  }
0x299: {  	s13 =	simm.s32 $0x100  }
0x29a: {  	s4 =	sand.u32 $0x70, s4;
	s8 =	sand.u32 $0x7C00, s13  }
0x29b: {  	s2 =	sor.u32 s4, s8;
	[tilespmem:s5+$0x8400] =	vst v3  }
0x29c: {  	[tilespmem:s2+$0x8380] =	vst v6;
	v4 =	vld.idx.msk [tilespmem:v7+s21+$0x0], $0xffff  }
0x29d: {  	s7 =	simm.s32 $0x40;
	v8 =	vld.idx.msk [tilespmem:v0+s20+$0x0], $0xffff;
	[tilespmem:s3+$0x8400] =	vst v5  }
0x29e: {  	s12 =	sand.u32 $0xFF0, s7;
	v6 =	vld.idx.msk [tilespmem:v1+s21+$0x0], $0xffff  }
0x29f: {  	v3 =	vld [tilespmem:s12+$0x6380]  }
0x2a0: {  	v9 =	vld.idx.msk [tilespmem:v2+s1+$0x0], $0xffff  }
0x2a1: {  	s12 =	simm.s32 $0x50;
	[tilespmem:s5+$0x8480] =	vst v4  }
0x2a2: {  	s11 =	simm.s32 $0x180;
	s9 =	sand.u32 $0xFF0, s12;
	v5 =	vld.idx.msk [tilespmem:v7+s22+$0x0], $0xffff  }
0x2a3: {  	s6 =	sand.u32 $0x70, s6;
	s4 =	sand.u32 $0x7C00, s11;
	v4 =	vld [tilespmem:s9+$0x6380];
	[tilespmem:s3+$0x8480] =	vst v6  }
0x2a4: {  	s4 =	sor.u32 s6, s4;
	[tilespmem:s2+$0x8400] =	vst v8;
	v8 =	vld.idx.msk [tilespmem:v1+s22+$0x0], $0xffff  }
0x2a5: {  	[tilespmem:s4+$0x8380] =	vst v9;
	v9 =	vld.idx.msk [tilespmem:v0+s21+$0x0], $0xffff  }
0x2a6: {  	v10 =	vld.idx.msk [tilespmem:v2+s20+$0x0], $0xffff  }
0x2a7: {  	v11 =	vld.idx.msk [tilespmem:v3+s1+$0x0], $0xffff;
	[tilespmem:s5+$0x8500] =	vst v5  }
0x2a8: {  	s8 =	simm.s32 $0x60;
	v6 =	vld.idx.msk [tilespmem:v7+s23+$0x0], $0xffff  }
0x2a9: {  	s13 =	sand.u32 $0xFF0, s8;
	s9 =	simm.s32 $0x200;
	[tilespmem:s3+$0x8500] =	vst v8  }
0x2aa: {  	s7 =	sand.u32 $0x70, s7;
	s6 =	sand.u32 $0x7C00, s9;
	v5 =	vld [tilespmem:s13+$0x6380];
	[tilespmem:s2+$0x8480] =	vst v9  }
0x2ab: {  	s6 =	sor.u32 s7, s6;
	v9 =	vld.idx.msk [tilespmem:v1+s23+$0x0], $0xffff;
	[tilespmem:s4+$0x8400] =	vst v10  }
0x2ac: {  	v10 =	vld.idx.msk [tilespmem:v0+s22+$0x0], $0xffff;
	[tilespmem:s6+$0x8380] =	vst v11  }
0x2ad: {  	v11 =	vld.idx.msk [tilespmem:v2+s21+$0x0], $0xffff;
	[tilespmem:s5+$0x8580] =	vst v6  }
0x2ae: {  	v8 =	vld.idx.msk [tilespmem:v7+s24+$0x0], $0xffff  }
0x2af: {  	s9 =	simm.s32 $0x70;
	v12 =	vld.idx.msk [tilespmem:v3+s20+$0x0], $0xffff  }
0x2b0: {  	s11 =	sand.u32 $0xFF0, s9;
	v13 =	vld.idx.msk [tilespmem:v4+s1+$0x0], $0xffff  }
0x2b1: {  	v6 =	vld [tilespmem:s11+$0x6380];
	[tilespmem:s3+$0x8580] =	vst v9  }
0x2b2: {  	[tilespmem:s2+$0x8500] =	vst v10;
	v17 =	vld.idx.msk [tilespmem:v1+s24+$0x0], $0xffff  }
0x2b3: {  	s11 =	simm.s32 $0x280;
	v16 =	vld.idx.msk [tilespmem:v0+s23+$0x0], $0xffff;
	[tilespmem:s5+$0x8600] =	vst v8  }
0x2b4: {  	s12 =	sand.u32 $0x70, s12;
	s13 =	sand.u32 $0x7C00, s11;
	[tilespmem:s4+$0x8480] =	vst v11;
	v14 =	vld.idx.msk [tilespmem:v7+s25+$0x0], $0xffff;
	v7 =	vmov v5  }
0x2b5: {  	[tilespmem:s6+$0x8400] =	vst v12;
	s7 =	sor.u32 s12, s13;
	v15 =	vld.idx.msk [tilespmem:v2+s22+$0x0], $0xffff  }
0x2b6: {  	v18 =	vmov v3;
	v20 =	vmov v4;
	v10 =	vmov v2;
	v19 =	vld.idx.msk [tilespmem:v3+s21+$0x0], $0xffff;
	[tilespmem:s7+$0x8380] =	vst v13  }
0x2b7: {  	v9 =	vmovc v3;
	v12 =	vmovc v0;
	s12 =	simm.s32 $0x80;
	v13 =	vmov v2;
	v21 =	vld.idx.msk [tilespmem:v4+s20+$0x0], $0xffff;
	v11 =	vmov v6;
	v8 =	vmov v4  }
.LBB2_14:
0x2b8: {  	v22 =	vmovc v2;
	v2 =	vmovc v3;
	v3 =	vmov v4;
	v4 =	vmov v5;
	v5 =	vmov v6  }
0x2b9: {  	s13 =	sand.u32 $0xFF0, s12;
	p0 =	sne.s32 s12, $0xFF0;
	v23 =	vld.idx.msk [tilespmem:v7+s1+$0x0], $0xffff;
	[tilespmem:s5+$0x8680] =	vst v14;
	s5 =	smov.u32 s3  }
0x2ba: {  	s3 =	smov.u32 s2;
	s2 =	smov.u32 s4;
	s4 =	smov.u32 s6;
	v6 =	vld [tilespmem:s13+$0x6380];
	[tilespmem:s5+$0x8600] =	vst v17  }
0x2bb: {  	s6 =	smov.u32 s7;
	[tilespmem:s3+$0x8580] =	vst v16;
	v14 =	vld.idx.msk [tilespmem:v1+s25+$0x0], $0xffff;
	v1 =	vmovc v0;
	v0 =	vmovc v10;
	v10 =	vmov v9;
	v9 =	vmov v8;
	v8 =	vmov v7  }
.Ltmp6:
0x2bc: {  	s11 =	sadd.s32 $0x80, s11;
	v7 =	vmov v11;
	[tilespmem:s2+$0x8500] =	vst v15;
	v17 =	vld.idx.msk [tilespmem:v12+s24+$0x0], $0xffff;
	v12 =	vmov v22;
	(pc) =	sbr.rel @p0 .LBB2_14-.Ltmp6, $4  }
0x2bd: {  	s7 =	sand.u32 $0x70, s8;
	s8 =	smov.u32 s9;
	s13 =	sand.u32 $0x7C00, s11;
	[tilespmem:s4+$0x8480] =	vst v19;
	v16 =	vld.idx.msk [tilespmem:v13+s23+$0x0], $0xffff;
	v13 =	vmov v2  }
0x2be: {  	s9 =	smov.u32 s12;
	s7 =	sor.u32 s7, s13;
	[tilespmem:s6+$0x8400] =	vst v21;
	v15 =	vld.idx.msk [tilespmem:v18+s22+$0x0], $0xffff;
	v18 =	vmov v3  }
0x2bf: {  	[tilespmem:s7+$0x8380] =	vst v23;
	v19 =	vld.idx.msk [tilespmem:v20+s21+$0x0], $0xffff;
	v11 =	vmov v6;
	v20 =	vmov v4  }
0x2c0: {  	s12 =	sadd.s32 $0x10, s12;
	v21 =	vld.idx.msk [tilespmem:v8+s20+$0x0], $0xffff  }
0x2c1: {  	_ =	sdelay $0x3  }
0x2c2: {  	v22 =	vld.idx.msk [tilespmem:v7+s1+$0x0], $0xffff  }
0x2c3: {  	v23 =	vld.idx.msk [tilespmem:v11+s1+$0x0], $0xffff  }
0x2c4: {  	s11 =	sadd.s32 $0x80, s11  }
0x2c5: {  	s8 =	sand.u32 $0x70, s8;
	s12 =	sand.u32 $0x7C00, s11;
	s11 =	sadd.s32 $0x80, s11  }
0x2c6: {  	s9 =	sand.u32 $0x70, s9;
	s8 =	sor.u32 s8, s12;
	s11 =	sand.u32 $0x7C00, s11  }
0x2c7: {  	s9 =	sor.u32 s9, s11;
	[tilespmem:s8+$0x8380] =	vst v22  }
0x2c8: {  	[tilespmem:s9+$0x8380] =	vst v23;
	v22 =	vld.idx.msk [tilespmem:v7+s20+$0x0], $0xffff  }
0x2c9: {  	v23 =	vld.idx.msk [tilespmem:v11+s20+$0x0], $0xffff;
	_ =	sdelay $0x2  }
0x2ca: {  	[tilespmem:s7+$0x8400] =	vst v21  }
0x2cb: {  	v20 =	vld.idx.msk [tilespmem:v20+s21+$0x0], $0xffff;
	[tilespmem:s8+$0x8400] =	vst v22  }
0x2cc: {  	[tilespmem:s9+$0x8400] =	vst v23;
	v21 =	vld.idx.msk [tilespmem:v5+s21+$0x0], $0xffff  }
0x2cd: {  	[tilespmem:s5+$0x8680] =	vst v14;
	v14 =	vld.idx.msk [tilespmem:v6+s21+$0x0], $0xffff  }
0x2ce: {  	[tilespmem:s3+$0x8600] =	vst v17  }
0x2cf: {  	[tilespmem:s6+$0x8480] =	vst v19  }
0x2d0: {  	v17 =	vld.idx.msk [tilespmem:v18+s22+$0x0], $0xffff;
	[tilespmem:s7+$0x8480] =	vst v20  }
0x2d1: {  	v18 =	vld.idx.msk [tilespmem:v4+s22+$0x0], $0xffff;
	[tilespmem:s8+$0x8480] =	vst v21  }
0x2d2: {  	[tilespmem:s9+$0x8480] =	vst v14;
	v19 =	vld.idx.msk [tilespmem:v5+s22+$0x0], $0xffff  }
0x2d3: {  	[tilespmem:s2+$0x8580] =	vst v16;
	v14 =	vld.idx.msk [tilespmem:v6+s22+$0x0], $0xffff  }
0x2d4: {  	v1 =	vld.idx.msk [tilespmem:v1+s25+$0x0], $0xffff;
	[tilespmem:s4+$0x8500] =	vst v15  }
0x2d5: {  	v13 =	vld.idx.msk [tilespmem:v13+s23+$0x0], $0xffff;
	[tilespmem:s6+$0x8500] =	vst v17  }
0x2d6: {  	v15 =	vld.idx.msk [tilespmem:v3+s23+$0x0], $0xffff;
	[tilespmem:s7+$0x8500] =	vst v18  }
0x2d7: {  	v16 =	vld.idx.msk [tilespmem:v4+s23+$0x0], $0xffff;
	[tilespmem:s8+$0x8500] =	vst v19  }
0x2d8: {  	[tilespmem:s9+$0x8500] =	vst v14;
	v17 =	vld.idx.msk [tilespmem:v5+s23+$0x0], $0xffff  }
0x2d9: {  	[tilespmem:s3+$0x8680] =	vst v1;
	v1 =	vld.idx.msk [tilespmem:v6+s23+$0x0], $0xffff  }
0x2da: {  	v12 =	vld.idx.msk [tilespmem:v12+s24+$0x0], $0xffff;
	[tilespmem:s4+$0x8580] =	vst v13  }
0x2db: {  	v2 =	vld.idx.msk [tilespmem:v2+s24+$0x0], $0xffff;
	[tilespmem:s6+$0x8580] =	vst v15  }
0x2dc: {  	v3 =	vld.idx.msk [tilespmem:v3+s24+$0x0], $0xffff;
	[tilespmem:s7+$0x8580] =	vst v16  }
0x2dd: {  	v4 =	vld.idx.msk [tilespmem:v4+s24+$0x0], $0xffff;
	[tilespmem:s8+$0x8580] =	vst v17  }
0x2de: {  	[tilespmem:s9+$0x8580] =	vst v1;
	v5 =	vld.idx.msk [tilespmem:v5+s24+$0x0], $0xffff  }
0x2df: {  	[tilespmem:s2+$0x8600] =	vst v12;
	v1 =	vld.idx.msk [tilespmem:v6+s24+$0x0], $0xffff  }
0x2e0: {  	v0 =	vld.idx.msk [tilespmem:v0+s25+$0x0], $0xffff;
	[tilespmem:s4+$0x8600] =	vst v2  }
0x2e1: {  	v2 =	vld.idx.msk [tilespmem:v10+s25+$0x0], $0xffff;
	[tilespmem:s6+$0x8600] =	vst v3  }
0x2e2: {  	v3 =	vld.idx.msk [tilespmem:v9+s25+$0x0], $0xffff;
	[tilespmem:s7+$0x8600] =	vst v4  }
0x2e3: {  	v4 =	vld.idx.msk [tilespmem:v8+s25+$0x0], $0xffff;
	[tilespmem:s8+$0x8600] =	vst v5  }
0x2e4: {  	[tilespmem:s9+$0x8600] =	vst v1;
	v5 =	vld.idx.msk [tilespmem:v7+s25+$0x0], $0xffff  }
0x2e5: {  	[tilespmem:s2+$0x8680] =	vst v0;
	v0 =	vld.idx.msk [tilespmem:v11+s25+$0x0], $0xffff  }
0x2e6: {  	[tilespmem:s4+$0x8680] =	vst v2  }
0x2e7: {  	[tilespmem:s6+$0x8680] =	vst v3  }
0x2e8: {  	[tilespmem:s7+$0x8680] =	vst v4  }
0x2e9: {  	[tilespmem:s8+$0x8680] =	vst v5  }
0x2ea: {  	s11 =	simm.s32 $0x0;
	[tilespmem:s9+$0x8680] =	vst v0  }
0x2eb: {  	[hbm4b:s17+s11] =	stream.linear.scatter [tilespmem:s28], [sflag:$0x1], $0x8000, $0x38;
	[tilespmem:$0x18380] =	vst v63  }
0x2ec: {  	_ =	swait.ge [sflag:s31], $0x8000  }
0x2ed: {  	[sflag:s31] =	ssyncset.done $0x0  }
0x2ee: {  	s12 =	sand.u32 $0xFF0, s11;
	[sflag:s31] =	ssyncadd.s32 $0xFFFF8000  }
0x2ef: {  	s13 =	simm.s32 $0x10;
	v7 =	vld [tilespmem:s12+$0x7380]  }
0x2f0: {  	s6 =	sand.u32 $0xFF0, s13  }
0x2f1: {  	v1 =	vld [tilespmem:s6+$0x7380]  }
0x2f2: {  	s4 =	simm.s32 $0x20  }
0x2f3: {  	s8 =	sand.u32 $0xFF0, s4  }
0x2f4: {  	v0 =	vld [tilespmem:s8+$0x7380];
	_ =	sdelay $0x2  }
0x2f5: {  	v2 =	vld.idx.msk [tilespmem:v7+s1+$0x0], $0xffff;
	_ =	sdelay $0x1  }
0x2f6: {  	v4 =	vld.idx.msk [tilespmem:v1+s1+$0x0], $0xffff  }
0x2f7: {  	s2 =	sand.u32 $0x7C00, s11;
	s7 =	sand.u32 $0x70, s11  }
0x2f8: {  	s5 =	sor.u32 s7, s2;
	s9 =	simm.s32 $0x80  }
0x2f9: {  	s3 =	sand.u32 $0x70, s13;
	s2 =	sand.u32 $0x7C00, s9;
	s6 =	simm.s32 $0x30;
	v6 =	vld.idx.msk [tilespmem:v0+s1+$0x0], $0xffff;
	[tilespmem:s5+$0x10380] =	vst v2  }
0x2fa: {  	s3 =	sor.u32 s3, s2;
	s11 =	sand.u32 $0xFF0, s6;
	v3 =	vld.idx.msk [tilespmem:v7+s20+$0x0], $0xffff  }
0x2fb: {  	v2 =	vld [tilespmem:s11+$0x7380];
	[tilespmem:s3+$0x10380] =	vst v4  }
0x2fc: {  	v5 =	vld.idx.msk [tilespmem:v1+s20+$0x0], $0xffff  }
0x2fd: {  	s13 =	simm.s32 $0x100  }
0x2fe: {  	s4 =	sand.u32 $0x70, s4;
	s8 =	sand.u32 $0x7C00, s13  }
0x2ff: {  	s2 =	sor.u32 s4, s8;
	[tilespmem:s5+$0x10400] =	vst v3  }
0x300: {  	[tilespmem:s2+$0x10380] =	vst v6;
	v4 =	vld.idx.msk [tilespmem:v7+s21+$0x0], $0xffff  }
0x301: {  	s7 =	simm.s32 $0x40;
	v8 =	vld.idx.msk [tilespmem:v0+s20+$0x0], $0xffff;
	[tilespmem:s3+$0x10400] =	vst v5  }
0x302: {  	s12 =	sand.u32 $0xFF0, s7;
	v6 =	vld.idx.msk [tilespmem:v1+s21+$0x0], $0xffff  }
0x303: {  	v3 =	vld [tilespmem:s12+$0x7380]  }
0x304: {  	v9 =	vld.idx.msk [tilespmem:v2+s1+$0x0], $0xffff  }
0x305: {  	s12 =	simm.s32 $0x50;
	[tilespmem:s5+$0x10480] =	vst v4  }
0x306: {  	s11 =	simm.s32 $0x180;
	s9 =	sand.u32 $0xFF0, s12;
	v5 =	vld.idx.msk [tilespmem:v7+s22+$0x0], $0xffff  }
0x307: {  	s6 =	sand.u32 $0x70, s6;
	s4 =	sand.u32 $0x7C00, s11;
	v4 =	vld [tilespmem:s9+$0x7380];
	[tilespmem:s3+$0x10480] =	vst v6  }
0x308: {  	s4 =	sor.u32 s6, s4;
	[tilespmem:s2+$0x10400] =	vst v8;
	v8 =	vld.idx.msk [tilespmem:v1+s22+$0x0], $0xffff  }
0x309: {  	[tilespmem:s4+$0x10380] =	vst v9;
	v9 =	vld.idx.msk [tilespmem:v0+s21+$0x0], $0xffff  }
0x30a: {  	v10 =	vld.idx.msk [tilespmem:v2+s20+$0x0], $0xffff  }
0x30b: {  	v11 =	vld.idx.msk [tilespmem:v3+s1+$0x0], $0xffff;
	[tilespmem:s5+$0x10500] =	vst v5  }
0x30c: {  	s8 =	simm.s32 $0x60;
	v6 =	vld.idx.msk [tilespmem:v7+s23+$0x0], $0xffff  }
0x30d: {  	s13 =	sand.u32 $0xFF0, s8;
	s9 =	simm.s32 $0x200;
	[tilespmem:s3+$0x10500] =	vst v8  }
0x30e: {  	s7 =	sand.u32 $0x70, s7;
	s6 =	sand.u32 $0x7C00, s9;
	v5 =	vld [tilespmem:s13+$0x7380];
	[tilespmem:s2+$0x10480] =	vst v9  }
0x30f: {  	s6 =	sor.u32 s7, s6;
	v9 =	vld.idx.msk [tilespmem:v1+s23+$0x0], $0xffff;
	[tilespmem:s4+$0x10400] =	vst v10  }
0x310: {  	v10 =	vld.idx.msk [tilespmem:v0+s22+$0x0], $0xffff;
	[tilespmem:s6+$0x10380] =	vst v11  }
0x311: {  	v11 =	vld.idx.msk [tilespmem:v2+s21+$0x0], $0xffff;
	[tilespmem:s5+$0x10580] =	vst v6  }
0x312: {  	v8 =	vld.idx.msk [tilespmem:v7+s24+$0x0], $0xffff  }
0x313: {  	s9 =	simm.s32 $0x70;
	v12 =	vld.idx.msk [tilespmem:v3+s20+$0x0], $0xffff  }
0x314: {  	s11 =	sand.u32 $0xFF0, s9;
	v13 =	vld.idx.msk [tilespmem:v4+s1+$0x0], $0xffff  }
0x315: {  	v6 =	vld [tilespmem:s11+$0x7380];
	[tilespmem:s3+$0x10580] =	vst v9  }
0x316: {  	[tilespmem:s2+$0x10500] =	vst v10;
	v17 =	vld.idx.msk [tilespmem:v1+s24+$0x0], $0xffff  }
0x317: {  	s11 =	simm.s32 $0x280;
	v16 =	vld.idx.msk [tilespmem:v0+s23+$0x0], $0xffff;
	[tilespmem:s5+$0x10600] =	vst v8  }
0x318: {  	s12 =	sand.u32 $0x70, s12;
	s13 =	sand.u32 $0x7C00, s11;
	[tilespmem:s4+$0x10480] =	vst v11;
	v14 =	vld.idx.msk [tilespmem:v7+s25+$0x0], $0xffff;
	v7 =	vmov v5  }
0x319: {  	[tilespmem:s6+$0x10400] =	vst v12;
	s7 =	sor.u32 s12, s13;
	v15 =	vld.idx.msk [tilespmem:v2+s22+$0x0], $0xffff  }
0x31a: {  	v18 =	vmov v3;
	v20 =	vmov v4;
	v10 =	vmov v2;
	v19 =	vld.idx.msk [tilespmem:v3+s21+$0x0], $0xffff;
	[tilespmem:s7+$0x10380] =	vst v13  }
0x31b: {  	v9 =	vmovc v3;
	v12 =	vmovc v0;
	s12 =	simm.s32 $0x80;
	v13 =	vmov v2;
	v21 =	vld.idx.msk [tilespmem:v4+s20+$0x0], $0xffff;
	v11 =	vmov v6;
	v8 =	vmov v4  }
.LBB2_16:
0x31c: {  	v22 =	vmovc v2;
	v2 =	vmovc v3;
	v3 =	vmov v4;
	v4 =	vmov v5;
	v5 =	vmov v6  }
0x31d: {  	s13 =	sand.u32 $0xFF0, s12;
	p0 =	sne.s32 s12, $0xFF0;
	v23 =	vld.idx.msk [tilespmem:v7+s1+$0x0], $0xffff;
	[tilespmem:s5+$0x10680] =	vst v14;
	s5 =	smov.u32 s3  }
0x31e: {  	s3 =	smov.u32 s2;
	s2 =	smov.u32 s4;
	s4 =	smov.u32 s6;
	v6 =	vld [tilespmem:s13+$0x7380];
	[tilespmem:s5+$0x10600] =	vst v17  }
0x31f: {  	s6 =	smov.u32 s7;
	[tilespmem:s3+$0x10580] =	vst v16;
	v14 =	vld.idx.msk [tilespmem:v1+s25+$0x0], $0xffff;
	v1 =	vmovc v0;
	v0 =	vmovc v10;
	v10 =	vmov v9;
	v9 =	vmov v8;
	v8 =	vmov v7  }
.Ltmp7:
0x320: {  	s11 =	sadd.s32 $0x80, s11;
	v7 =	vmov v11;
	[tilespmem:s2+$0x10500] =	vst v15;
	v17 =	vld.idx.msk [tilespmem:v12+s24+$0x0], $0xffff;
	v12 =	vmov v22;
	(pc) =	sbr.rel @p0 .LBB2_16-.Ltmp7, $4  }
0x321: {  	s7 =	sand.u32 $0x70, s8;
	s8 =	smov.u32 s9;
	s13 =	sand.u32 $0x7C00, s11;
	[tilespmem:s4+$0x10480] =	vst v19;
	v16 =	vld.idx.msk [tilespmem:v13+s23+$0x0], $0xffff;
	v13 =	vmov v2  }
0x322: {  	s9 =	smov.u32 s12;
	s7 =	sor.u32 s7, s13;
	[tilespmem:s6+$0x10400] =	vst v21;
	v15 =	vld.idx.msk [tilespmem:v18+s22+$0x0], $0xffff;
	v18 =	vmov v3  }
0x323: {  	[tilespmem:s7+$0x10380] =	vst v23;
	v19 =	vld.idx.msk [tilespmem:v20+s21+$0x0], $0xffff;
	v11 =	vmov v6;
	v20 =	vmov v4  }
0x324: {  	s12 =	sadd.s32 $0x10, s12;
	v21 =	vld.idx.msk [tilespmem:v8+s20+$0x0], $0xffff  }
0x325: {  	_ =	sdelay $0x3  }
0x326: {  	v22 =	vld.idx.msk [tilespmem:v7+s1+$0x0], $0xffff  }
0x327: {  	v23 =	vld.idx.msk [tilespmem:v11+s1+$0x0], $0xffff  }
0x328: {  	s11 =	sadd.s32 $0x80, s11  }
0x329: {  	s8 =	sand.u32 $0x70, s8;
	s12 =	sand.u32 $0x7C00, s11;
	s11 =	sadd.s32 $0x80, s11  }
0x32a: {  	s9 =	sand.u32 $0x70, s9;
	s8 =	sor.u32 s8, s12;
	s11 =	sand.u32 $0x7C00, s11  }
0x32b: {  	s9 =	sor.u32 s9, s11;
	[tilespmem:s8+$0x10380] =	vst v22  }
0x32c: {  	[tilespmem:s9+$0x10380] =	vst v23;
	v22 =	vld.idx.msk [tilespmem:v7+s20+$0x0], $0xffff  }
0x32d: {  	v23 =	vld.idx.msk [tilespmem:v11+s20+$0x0], $0xffff;
	_ =	sdelay $0x2  }
0x32e: {  	[tilespmem:s7+$0x10400] =	vst v21  }
0x32f: {  	v20 =	vld.idx.msk [tilespmem:v20+s21+$0x0], $0xffff;
	[tilespmem:s8+$0x10400] =	vst v22  }
0x330: {  	[tilespmem:s9+$0x10400] =	vst v23;
	v51 =	vld.idx.msk [tilespmem:v5+s21+$0x0], $0xffff  }
0x331: {  	[tilespmem:s5+$0x10680] =	vst v14;
	v52 =	vld.idx.msk [tilespmem:v6+s21+$0x0], $0xffff  }
0x332: {  	[tilespmem:s3+$0x10600] =	vst v17  }
0x333: {  	[tilespmem:s6+$0x10480] =	vst v19  }
0x334: {  	v53 =	vld.idx.msk [tilespmem:v18+s22+$0x0], $0xffff;
	[tilespmem:s7+$0x10480] =	vst v20  }
0x335: {  	v54 =	vld.idx.msk [tilespmem:v4+s22+$0x0], $0xffff;
	[tilespmem:s8+$0x10480] =	vst v51  }
0x336: {  	[tilespmem:s9+$0x10480] =	vst v52;
	v55 =	vld.idx.msk [tilespmem:v5+s22+$0x0], $0xffff  }
0x337: {  	[tilespmem:s2+$0x10580] =	vst v16;
	v14 =	vld.idx.msk [tilespmem:v6+s22+$0x0], $0xffff  }
0x338: {  	v1 =	vld.idx.msk [tilespmem:v1+s25+$0x0], $0xffff;
	[tilespmem:s4+$0x10500] =	vst v15  }
0x339: {  	v13 =	vld.idx.msk [tilespmem:v13+s23+$0x0], $0xffff;
	[tilespmem:s6+$0x10500] =	vst v53  }
0x33a: {  	v56 =	vld.idx.msk [tilespmem:v3+s23+$0x0], $0xffff;
	[tilespmem:s7+$0x10500] =	vst v54  }
0x33b: {  	v57 =	vld.idx.msk [tilespmem:v4+s23+$0x0], $0xffff;
	[tilespmem:s8+$0x10500] =	vst v55  }
0x33c: {  	[tilespmem:s9+$0x10500] =	vst v14;
	v58 =	vld.idx.msk [tilespmem:v5+s23+$0x0], $0xffff  }
0x33d: {  	[tilespmem:s3+$0x10680] =	vst v1;
	v59 =	vld.idx.msk [tilespmem:v6+s23+$0x0], $0xffff  }
0x33e: {  	v12 =	vld.idx.msk [tilespmem:v12+s24+$0x0], $0xffff;
	[tilespmem:s4+$0x10580] =	vst v13  }
0x33f: {  	v2 =	vld.idx.msk [tilespmem:v2+s24+$0x0], $0xffff;
	[tilespmem:s6+$0x10580] =	vst v56  }
0x340: {  	v60 =	vld.idx.msk [tilespmem:v3+s24+$0x0], $0xffff;
	[tilespmem:s7+$0x10580] =	vst v57  }
0x341: {  	v61 =	vld.idx.msk [tilespmem:v4+s24+$0x0], $0xffff;
	[tilespmem:s8+$0x10580] =	vst v58  }
0x342: {  	[tilespmem:s9+$0x10580] =	vst v59;
	v62 =	vld.idx.msk [tilespmem:v5+s24+$0x0], $0xffff  }
0x343: {  	[tilespmem:s2+$0x10600] =	vst v12;
	v1 =	vld.idx.msk [tilespmem:v6+s24+$0x0], $0xffff  }
0x344: {  	v0 =	vld.idx.msk [tilespmem:v0+s25+$0x0], $0xffff;
	[tilespmem:s4+$0x10600] =	vst v2  }
0x345: {  	v2 =	vld.idx.msk [tilespmem:v10+s25+$0x0], $0xffff;
	[tilespmem:s6+$0x10600] =	vst v60  }
0x346: {  	v3 =	vld.idx.msk [tilespmem:v9+s25+$0x0], $0xffff;
	[tilespmem:s7+$0x10600] =	vst v61  }
0x347: {  	v4 =	vld.idx.msk [tilespmem:v8+s25+$0x0], $0xffff;
	[tilespmem:s8+$0x10600] =	vst v62  }
0x348: {  	[tilespmem:s9+$0x10600] =	vst v1;
	v5 =	vld.idx.msk [tilespmem:v7+s25+$0x0], $0xffff  }
0x349: {  	[tilespmem:s2+$0x10680] =	vst v0;
	v63 =	vld.idx.msk [tilespmem:v11+s25+$0x0], $0xffff  }
0x34a: {  	[tilespmem:s4+$0x10680] =	vst v2  }
0x34b: {  	[tilespmem:s6+$0x10680] =	vst v3  }
0x34c: {  	[tilespmem:s7+$0x10680] =	vst v4  }
0x34d: {  	[tilespmem:s8+$0x10680] =	vst v5  }
0x34e: {  	s0 =	sadd.s32 $0x1, s0;
	[tilespmem:s9+$0x10680] =	vst v63  }
0x34f: {  	[hbm4b:s18+s1] =	stream.linear.scatter [tilespmem:s29], [sflag:$0x2], $0x8000, $0x38;
	[tilespmem:$0x18380] =	vst v63  }
0x350: {  	p0 =	sne.s32 s0, s19;
	_ =	swait.ge [sflag:s30], $0x8000  }
.Ltmp8:
0x351: {  	[sflag:s30] =	ssyncset.done $0x0;
	(pc) =	sbr.rel @p0 .LBB2_1-.Ltmp8, $4  }
0x352: {  	[sflag:s30] =	ssyncadd.s32 $0xFFFF8000  }
0x353: {  	_ =	swait.ge [sflag:s31], $0x8000  }
0x354: {  	[sflag:s31] =	ssyncset.done $0x0  }
0x355: {  	[sflag:s31] =	ssyncadd.s32 $0xFFFF8000  }
0x356: {  	_ =	sfence.sel $0x180000  }
0x357: {  	[bflag:$0x0] =	sbarrier.arrive $0xFFFF  }
0x358: {  	_ =	strace $0x90000047  }
0x359: {  	s0 =	stileid.u32;
	[bflag:$0x2] =	sbarrier.arrive $0xFFFF  }
0x35a: {  	p0 =	sne.s32 s0, $0x0;
	s0 =	rddreg [dreg:$0x3]  }
0x35b: {  	s0 =	sadd.s32 @!p0 $0x100000, s0  }
0x35c: {  	[sflag:s0] =	ssyncadd.tile.s32 @!p0 $0x1;
	_ =	shalt  }
.Lfunc_end2:
_tile_overlayer_lowered:
.L_overlay_start_2:
0x35d: {  	(tag) =	ssettag $0x2  }
0x35e: {  	s0 =	rddreg [dreg:$0x0];
	s2 =	stileid.u32  }
0x35f: {  	s1 =	rddreg [dreg:$0x1];
	p0 =	sne.s32 s2, $0x0  }
0x360: {  	s3 =	rddreg [dreg:$0x2];
	[bflag:$0x3] =	sbarrier.arrive $0xFFFF;
	s2 =	simm.s32 @!p0 $0x1C04  }
0x361: {  	[timem:s3], [sflag:s2] =	dma.local @!p0 [hbm:s0], s1  }
0x362: {  	s0 =	simm.s32 @!p0 $0x4  }
0x363: {  	_ =	swait.ge @!p0 [sflag:s0], s1  }
0x364: {  	s1 =	ssub.s32 @!p0 $0x0, s1;
	[sflag:s0] =	ssyncset.done @!p0 $0x0  }
0x365: {  	[sflag:s0] =	ssyncadd.s32 @!p0 s1  }
0x366: {  	[bflag:$0x3] =	sbarrier.arrive $0xFFFF  }
0x367: {  	_ =	shalt  }

</sc_bundles>
